<compile_context>
chip_gen: v7x
topology: tpu7x:2x2x1
jax: 0.10.2.dev20260603
libtpu: 0.0.44.dev20260713+nightly
codegen_flags: <defaults>
</compile_context>

<pallas_src>
import functools

import jax
import jax.numpy as jnp
from jax import lax
from jax.experimental import pallas as pl
from jax.experimental.pallas import tpu as pltpu
from jax.experimental.pallas import tpu_sc as plsc

N = 10000
E = 320000
D_IN = 128
D_HID = 128
D_OUT = 64

NC = 2
NS = 16
NW = NC * NS

CHUNK = 80
EPT = E // NW
ITERS = EPT // CHUNK
N_PAD = 10240
RPT = N_PAD // NS
ZROWS = 128
DEG_PAD = 10240
DPT = DEG_PAD // NS

_mesh = lambda: plsc.VectorSubcoreMesh(core_axis_name="c", subcore_axis_name="s")


@functools.partial(
    pl.kernel,
    out_type=[jax.ShapeDtypeStruct((DEG_PAD,), jnp.float32)] * 2,
    mesh=_mesh(),
    scratch_types=[
        pltpu.VMEM((CHUNK,), jnp.int32),
        pltpu.VMEM((CHUNK,), jnp.float32),
        pltpu.VMEM((DPT,), jnp.float32),
        pltpu.VMEM_SHARED((DEG_PAD,), jnp.float32),
    ],
)
def _sc_deg(dst_hbm, out0, out1, dst_v, ones_v, zero_v, acc):
    c = lax.axis_index("c")
    s = lax.axis_index("s")
    for i in range(CHUNK // 16):
        ones_v[pl.ds(i * 16, 16)] = jnp.ones((16,), jnp.float32)

    def zfill(i, carry):
        zero_v[pl.ds(i * 16, 16)] = jnp.zeros((16,), jnp.float32)
        return carry

    lax.fori_loop(0, DPT // 16, zfill, 0)
    pltpu.sync_copy(zero_v, acc.at[pl.ds(s * DPT, DPT)])
    plsc.subcore_barrier()

    base = (c * NS + s) * EPT

    def body(i, carry):
        pltpu.sync_copy(dst_hbm.at[pl.ds(base + i * CHUNK, CHUNK)], dst_v)
        pltpu.sync_copy(ones_v, acc.at[dst_v], add=True)
        return carry

    lax.fori_loop(0, ITERS, body, 0)
    plsc.subcore_barrier()

    @pl.when(c == 0)
    def _():
        pltpu.sync_copy(acc.at[pl.ds(s * DPT, DPT)], out0.at[pl.ds(s * DPT, DPT)])

    @pl.when(c == 1)
    def _():
        pltpu.sync_copy(acc.at[pl.ds(s * DPT, DPT)], out1.at[pl.ds(s * DPT, DPT)])


def _make_sc_agg(D):
    @functools.partial(
        pl.kernel,
        out_type=[jax.ShapeDtypeStruct((N_PAD, D), jnp.float32)] * 2,
        mesh=_mesh(),
        scratch_types=[
            pltpu.VMEM((CHUNK,), jnp.int32),
            pltpu.VMEM((CHUNK,), jnp.int32),
            pltpu.VMEM((CHUNK, D), jnp.float32),
            pltpu.VMEM((ZROWS, D), jnp.float32),
            pltpu.VMEM_SHARED((N_PAD, D), jnp.float32),
            pltpu.SemaphoreType.DMA,
        ],
    )
    def agg(h_hbm, src_hbm, dst_hbm, out0, out1, src_v, dst_v, rows_v, zrows_v,
            acc, sem):
        c = lax.axis_index("c")
        s = lax.axis_index("s")

        def zfill(r, carry):
            for j in range(D // 16):
                zrows_v[r, pl.ds(j * 16, 16)] = jnp.zeros((16,), jnp.float32)
            return carry

        lax.fori_loop(0, ZROWS, zfill, 0)
        for t in range(RPT // ZROWS):
            pltpu.sync_copy(zrows_v, acc.at[pl.ds(s * RPT + t * ZROWS, ZROWS)])
        plsc.subcore_barrier()

        base = (c * NS + s) * EPT

        def body(i, carry):
            b = base + i * CHUNK
            pltpu.sync_copy(src_hbm.at[pl.ds(b, CHUNK)], src_v)
            pltpu.sync_copy(dst_hbm.at[pl.ds(b, CHUNK)], dst_v)
            pltpu.async_copy(h_hbm.at[src_v], rows_v, sem).wait()
            pltpu.sync_copy(rows_v, acc.at[dst_v], add=True)
            return carry

        lax.fori_loop(0, ITERS, body, 0)
        plsc.subcore_barrier()

        @pl.when(c == 0)
        def _():
            pltpu.sync_copy(acc.at[pl.ds(s * RPT, RPT)], out0.at[pl.ds(s * RPT, RPT)])

        @pl.when(c == 1)
        def _():
            pltpu.sync_copy(acc.at[pl.ds(s * RPT, RPT)], out1.at[pl.ds(s * RPT, RPT)])

    return agg


_sc_agg128 = _make_sc_agg(D_HID)


def _dis(d0_ref, d1_ref):
    return lax.rsqrt(d0_ref[:N] + d1_ref[:N] + 1.0)


def _tc_b_body(d0_ref, d1_ref, x_ref, w1_ref, h1p_ref):
    dis = _dis(d0_ref, d1_ref)
    h = jnp.dot(x_ref[...], w1_ref[...], preferred_element_type=jnp.float32)
    h1p_ref[...] = h * dis[:, None]


def _tc_d_body(d0_ref, d1_ref, h1p_ref, p0_ref, p1_ref, b1_ref, g_ref):
    dis = _dis(d0_ref, d1_ref)
    agg = p0_ref[:N] + p1_ref[:N] + h1p_ref[...]
    h1 = jnp.maximum(agg * dis[:, None] + b1_ref[...], 0.0)
    g_ref[...] = h1 * dis[:, None]


def _tc_f_body(d0_ref, d1_ref, g_ref, q0_ref, q1_ref, w2_ref, b2_ref, out_ref):
    dis = _dis(d0_ref, d1_ref)
    agg = (q0_ref[:N] + q1_ref[:N] + g_ref[...]) * dis[:, None]
    out_ref[...] = (
        jnp.dot(agg, w2_ref[...], preferred_element_type=jnp.float32)
        + b2_ref[...]
    )


def kernel(x, edge_index, W1, b1, W2, b2):
    ei = edge_index.astype(jnp.int32)
    src, dst = ei[0], ei[1]

    d0, d1 = _sc_deg(dst)

    h1p = pl.pallas_call(
        _tc_b_body,
        out_shape=jax.ShapeDtypeStruct((N, D_HID), jnp.float32),
    )(d0, d1, x, W1)

    p0, p1 = _sc_agg128(h1p, src, dst)

    g = pl.pallas_call(
        _tc_d_body,
        out_shape=jax.ShapeDtypeStruct((N, D_HID), jnp.float32),
    )(d0, d1, h1p, p0, p1, b1)

    q0, q1 = _sc_agg128(g, src, dst)

    out = pl.pallas_call(
        _tc_f_body,
        out_shape=jax.ShapeDtypeStruct((N, D_OUT), jnp.float32),
    )(d0, d1, g, q0, q1, W2, b2)

    return out

# --- scband reference (transcript-rebuilt; emitter-appended) ---
"""Pipeline reference for scband-gcn-67396626809139 (READ-ONLY COPY).

The authoritative reference and input builder live on the scoring server;
editing this copy changes nothing except your own understanding.
"""

import jax, jax.numpy as jnp
import numpy as np

N_NODES = 10000
N_EDGES = 320000
D_IN = 128
D_HID = 128
D_OUT = 64


def setup_inputs(seed: int = 0) -> dict:
    key = jax.random.key(seed)
    k1, k2, k3, k4, k5, k6 = jax.random.split(key, 6)
    x = jax.random.normal(k1, (N_NODES, D_IN), dtype=jnp.float32)
    edge_index = jax.random.randint(k2, (2, N_EDGES), 0, N_NODES, dtype=jnp.int64)
    W1 = jax.random.normal(k3, (D_IN, D_HID), dtype=jnp.float32) * (1.0 / np.sqrt(D_IN))
    b1 = jnp.zeros((D_HID,), dtype=jnp.float32)
    W2 = jax.random.normal(k4, (D_HID, D_OUT), dtype=jnp.float32) * (1.0 / np.sqrt(D_HID))
    b2 = jnp.zeros((D_OUT,), dtype=jnp.float32)
    return {"x": x, "edge_index": edge_index, "W1": W1, "b1": b1, "W2": W2, "b2": b2}


def _gcn_layer(x, edge_index, W, b):
    # Faithful GCNConv: linear transform, add self-loops, symmetric normalization,
    # scatter-add aggregation over destination nodes, then bias.
    N = x.shape[0]
    loop = jnp.arange(N, dtype=edge_index.dtype)
    src = jnp.concatenate([edge_index[0], loop])
    dst = jnp.concatenate([edge_index[1], loop])
    deg = jnp.zeros((N,), dtype=x.dtype).at[dst].add(1.0)
    deg_inv_sqrt = jnp.where(deg > 0, jax.lax.rsqrt(deg), 0.0)
    norm = deg_inv_sqrt[src] * deg_inv_sqrt[dst]
    h = x @ W
    msg = h[src] * norm[:, None]
    out = jax.ops.segment_sum(msg, dst, num_segments=N)
    return out + b


def reference(x, edge_index, W1, b1, W2, b2):
    h = _gcn_layer(x, edge_index, W1, b1)
    h = jax.nn.relu(h)
    out = _gcn_layer(h, edge_index, W2, b2)
    return out

if __name__ == "__main__":
    import jax
    _d = setup_inputs()
    print(jax.jit(kernel)(*tuple(_d.values())))

</pallas_src>

<mosaic_0001>
#map = affine_map<(d0, d1) -> (0)>
module attributes {stable_mosaic.version = 14 : i64} {
  func.func @_sc_deg(%arg0: i32, %arg1: i32, %arg2: memref<320000xi32, #tpu.memory_space<hbm>>, %arg3: memref<10240xf32, #tpu.memory_space<hbm>>, %arg4: memref<10240xf32, #tpu.memory_space<hbm>>, %arg5: memref<80xi32, #tpu.memory_space<vmem>>, %arg6: memref<80xf32, #tpu.memory_space<vmem>>, %arg7: memref<640xf32, #tpu.memory_space<vmem>>, %arg8: memref<10240xf32, #tpu.memory_space<vmem_shared>>) attributes {dimension_semantics = [#tpu.dimension_semantics<core_parallel>, #tpu.dimension_semantics<subcore_parallel>], iteration_bounds = array<i64: 2, 16>, scalar_prefetch = 0 : i64, scratch_operands = 4 : i64, tpu.core_type = #tpu.core_type<sc_vector_subcore>, window_params = [{transform_indices = #map}, {transform_indices = #map}, {transform_indices = #map}]} {
    %broadcast_in_dim3A = arith.constant 1.000000e+00 : f32
    %broadcast_in_dim3A_0 = vector.broadcast %broadcast_in_dim3A : f32 to vector<16xf32>
    %swap3A = arith.constant 0 : index
    %swap3A_1 = tpu.vector_load %arg6[%swap3A] {strides = array<i32>} : memref<80xf32, #tpu.memory_space<vmem>>, vector<16xf32>,
    %swap3A_2 = vector.shape_cast %swap3A_1 : vector<16xf32> to vector<16xf32>
    %swap3A_3 = vector.shape_cast %broadcast_in_dim3A_0 : vector<16xf32> to vector<16xf32>
    tpu.vector_store %arg6[%swap3A], %swap3A_3 {strides = array<i32>} : memref<80xf32, #tpu.memory_space<vmem>>, vector<16xf32>,
    %broadcast_in_dim3A_4 = arith.constant 1.000000e+00 : f32
    %broadcast_in_dim3A_5 = vector.broadcast %broadcast_in_dim3A_4 : f32 to vector<16xf32>
    %swap3A_6 = arith.constant 16 : index
    %swap3A_7 = tpu.vector_load %arg6[%swap3A_6] {strides = array<i32>} : memref<80xf32, #tpu.memory_space<vmem>>, vector<16xf32>,
    %swap3A_8 = vector.shape_cast %swap3A_7 : vector<16xf32> to vector<16xf32>
    %swap3A_9 = vector.shape_cast %broadcast_in_dim3A_5 : vector<16xf32> to vector<16xf32>
    tpu.vector_store %arg6[%swap3A_6], %swap3A_9 {strides = array<i32>} : memref<80xf32, #tpu.memory_space<vmem>>, vector<16xf32>,
    %broadcast_in_dim3A_10 = arith.constant 1.000000e+00 : f32
    %broadcast_in_dim3A_11 = vector.broadcast %broadcast_in_dim3A_10 : f32 to vector<16xf32>
    %swap3A_12 = arith.constant 32 : index
    %swap3A_13 = tpu.vector_load %arg6[%swap3A_12] {strides = array<i32>} : memref<80xf32, #tpu.memory_space<vmem>>, vector<16xf32>,
    %swap3A_14 = vector.shape_cast %swap3A_13 : vector<16xf32> to vector<16xf32>
    %swap3A_15 = vector.shape_cast %broadcast_in_dim3A_11 : vector<16xf32> to vector<16xf32>
    tpu.vector_store %arg6[%swap3A_12], %swap3A_15 {strides = array<i32>} : memref<80xf32, #tpu.memory_space<vmem>>, vector<16xf32>,
    %broadcast_in_dim3A_16 = arith.constant 1.000000e+00 : f32
    %broadcast_in_dim3A_17 = vector.broadcast %broadcast_in_dim3A_16 : f32 to vector<16xf32>
    %swap3A_18 = arith.constant 48 : index
    %swap3A_19 = tpu.vector_load %arg6[%swap3A_18] {strides = array<i32>} : memref<80xf32, #tpu.memory_space<vmem>>, vector<16xf32>,
    %swap3A_20 = vector.shape_cast %swap3A_19 : vector<16xf32> to vector<16xf32>
    %swap3A_21 = vector.shape_cast %broadcast_in_dim3A_17 : vector<16xf32> to vector<16xf32>
    tpu.vector_store %arg6[%swap3A_18], %swap3A_21 {strides = array<i32>} : memref<80xf32, #tpu.memory_space<vmem>>, vector<16xf32>,
    %broadcast_in_dim3A_22 = arith.constant 1.000000e+00 : f32
    %broadcast_in_dim3A_23 = vector.broadcast %broadcast_in_dim3A_22 : f32 to vector<16xf32>
    %swap3A_24 = arith.constant 64 : index
    %swap3A_25 = tpu.vector_load %arg6[%swap3A_24] {strides = array<i32>} : memref<80xf32, #tpu.memory_space<vmem>>, vector<16xf32>,
    %swap3A_26 = vector.shape_cast %swap3A_25 : vector<16xf32> to vector<16xf32>
    %swap3A_27 = vector.shape_cast %broadcast_in_dim3A_23 : vector<16xf32> to vector<16xf32>
    tpu.vector_store %arg6[%swap3A_24], %swap3A_27 {strides = array<i32>} : memref<80xf32, #tpu.memory_space<vmem>>, vector<16xf32>,
    %scan3A = arith.constant 0 : i32
    %scan3A_28 = arith.constant 0 : i32
    %scan3A_29 = arith.constant 40 : i32
    %scan3A_30 = arith.addi %scan3A_28, %scan3A_29 : i32
    %scan3A_31 = arith.constant 1 : i32
    scf.for %scan3A_52 = %scan3A_28 to %scan3A_30 step %scan3A_31  : i32 {
      %broadcast_in_dim3A_53 = arith.constant 0.000000e+00 : f32
      %broadcast_in_dim3A_54 = vector.broadcast %broadcast_in_dim3A_53 : f32 to vector<16xf32>
      %mul3A_55 = arith.constant 16 : i32
      %mul3A_56 = arith.muli %scan3A_52, %mul3A_55 : i32
      %swap3A_57 = arith.index_cast %mul3A_56 : i32 to index
      %swap3A_58 = tpu.vector_load %arg7[%swap3A_57] {strides = array<i32>} : memref<640xf32, #tpu.memory_space<vmem>>, vector<16xf32>,
      %swap3A_59 = vector.shape_cast %swap3A_58 : vector<16xf32> to vector<16xf32>
      %swap3A_60 = vector.shape_cast %broadcast_in_dim3A_54 : vector<16xf32> to vector<16xf32>
      tpu.vector_store %arg7[%swap3A_57], %swap3A_60 {strides = array<i32>} : memref<640xf32, #tpu.memory_space<vmem>>, vector<16xf32>,
    }
    %scan3A_32 = arith.constant 40 : i32
    %mul3A = arith.constant 640 : i32
    %mul3A_33 = arith.muli %arg1, %mul3A : i32
    "tpu.region"() ({
      %run_scoped3A = tpu.sem_alloc : memref<!tpu.dma_semaphore, #tpu.memory_space<semaphore_mem>>
      %dma_start3A = tpu.memref_slice %arg8[%mul3A_33] : memref<10240xf32, #tpu.memory_space<vmem_shared>> -> memref<640xf32, #tpu.memory_space<vmem_shared>>
      %dma_start3A_52 = tpu.memref_slice %arg8[%mul3A_33] : memref<10240xf32, #tpu.memory_space<vmem_shared>> -> memref<640xf32, #tpu.memory_space<vmem_shared>>
      tpu.enqueue_dma source(%arg7 : memref<640xf32, #tpu.memory_space<vmem>>) target(%dma_start3A_52 : memref<640xf32, #tpu.memory_space<vmem_shared>>) target_semaphore(%run_scoped3A : memref<!tpu.dma_semaphore, #tpu.memory_space<semaphore_mem>>)
      %dma_wait3A = tpu.memref_slice %arg8[%mul3A_33] : memref<10240xf32, #tpu.memory_space<vmem_shared>> -> memref<640xf32, #tpu.memory_space<vmem_shared>>
      %dma_wait3A_53 = tpu.memref_slice %arg8[%mul3A_33] : memref<10240xf32, #tpu.memory_space<vmem_shared>> -> memref<640xf32, #tpu.memory_space<vmem_shared>>
      tpu.wait_dma2 semaphore(%run_scoped3A : memref<!tpu.dma_semaphore, #tpu.memory_space<semaphore_mem>>) src(%arg7 : memref<640xf32, #tpu.memory_space<vmem>>) dst(%dma_wait3A_53 : memref<640xf32, #tpu.memory_space<vmem_shared>>)
      tpu.yield
    }) : () -> ()
    %barrier3A = arith.constant 0 : index
    tpu.barrier barrier_id(%barrier3A)
    %mul3A_34 = arith.constant 16 : i32
    %mul3A_35 = arith.muli %arg0, %mul3A_34 : i32
    %add3A = arith.addi %mul3A_35, %arg1 : i32
    %mul3A_36 = arith.constant 10000 : i32
    %mul3A_37 = arith.muli %add3A, %mul3A_36 : i32
    %scan3A_38 = arith.constant 0 : i32
    %scan3A_39 = arith.constant 0 : i32
    %scan3A_40 = arith.constant 125 : i32
    %scan3A_41 = arith.addi %scan3A_39, %scan3A_40 : i32
    %scan3A_42 = arith.constant 1 : i32
    scf.for %scan3A_52 = %scan3A_39 to %scan3A_41 step %scan3A_42  : i32 {
      %mul3A_53 = arith.constant 80 : i32
      %mul3A_54 = arith.muli %scan3A_52, %mul3A_53 : i32
      %add3A_55 = arith.addi %mul3A_37, %mul3A_54 : i32
      "tpu.region"() ({
        %run_scoped3A = tpu.sem_alloc : memref<!tpu.dma_semaphore, #tpu.memory_space<semaphore_mem>>
        %dma_start3A = tpu.memref_slice %arg2[%add3A_55] : memref<320000xi32, #tpu.memory_space<hbm>> -> memref<80xi32, #tpu.memory_space<hbm>>
        %dma_start3A_56 = tpu.memref_slice %arg2[%add3A_55] : memref<320000xi32, #tpu.memory_space<hbm>> -> memref<80xi32, #tpu.memory_space<hbm>>
        tpu.enqueue_dma source(%dma_start3A_56 : memref<80xi32, #tpu.memory_space<hbm>>) target(%arg5 : memref<80xi32, #tpu.memory_space<vmem>>) target_semaphore(%run_scoped3A : memref<!tpu.dma_semaphore, #tpu.memory_space<semaphore_mem>>)
        %dma_wait3A = tpu.memref_slice %arg2[%add3A_55] : memref<320000xi32, #tpu.memory_space<hbm>> -> memref<80xi32, #tpu.memory_space<hbm>>
        %dma_wait3A_57 = tpu.memref_slice %arg2[%add3A_55] : memref<320000xi32, #tpu.memory_space<hbm>> -> memref<80xi32, #tpu.memory_space<hbm>>
        tpu.wait_dma2 semaphore(%run_scoped3A : memref<!tpu.dma_semaphore, #tpu.memory_space<semaphore_mem>>) src(%dma_wait3A_57 : memref<80xi32, #tpu.memory_space<hbm>>) dst(%arg5 : memref<80xi32, #tpu.memory_space<vmem>>)
        tpu.yield
      }) : () -> ()
      "tpu.region"() ({
        %run_scoped3A = tpu.sem_alloc : memref<!tpu.dma_semaphore, #tpu.memory_space<semaphore_mem>>
        %dma_start3A = arith.constant 0 : i32
        %dma_start3A_56 = tpu.memref_slice %arg8[%dma_start3A] : memref<10240xf32, #tpu.memory_space<vmem_shared>> -> memref<10240xf32, #tpu.memory_space<vmem_shared>>
        tpu.enqueue_indirect_dma source(%arg6 : memref<80xf32, #tpu.memory_space<vmem>>) target(%dma_start3A_56 : memref<10240xf32, #tpu.memory_space<vmem_shared>>) offsets(%arg5 : memref<80xi32, #tpu.memory_space<vmem>>) semaphore(%run_scoped3A : memref<!tpu.dma_semaphore, #tpu.memory_space<semaphore_mem>>) {add = true}
        %dma_wait3A = arith.constant 0 : i32
        %dma_wait3A_57 = tpu.memref_slice %arg8[%dma_wait3A] : memref<10240xf32, #tpu.memory_space<vmem_shared>> -> memref<10240xf32, #tpu.memory_space<vmem_shared>>
        tpu.wait_indirect_dma semaphore(%run_scoped3A : memref<!tpu.dma_semaphore, #tpu.memory_space<semaphore_mem>>) src(%arg6 : memref<80xf32, #tpu.memory_space<vmem>>) dst(%dma_wait3A_57 : memref<10240xf32, #tpu.memory_space<vmem_shared>>)
        tpu.yield
      }) : () -> ()
    }
    %scan3A_43 = arith.constant 125 : i32
    %barrier3A_44 = arith.constant 0 : index
    tpu.barrier barrier_id(%barrier3A_44)
    %eq3A = arith.constant 0 : i32
    %eq3A_45 = arith.cmpi eq, %arg0, %eq3A : i32
    %convert_element_type3A = arith.extui %eq3A_45 : i1 to i32
    %cond3A = arith.constant 0 : i32
    %cond3A_46 = arith.cmpi ne, %convert_element_type3A, %cond3A : i32
    scf.if %cond3A_46 {
      %mul3A_52 = arith.constant 640 : i32
      %mul3A_53 = arith.muli %arg1, %mul3A_52 : i32
      %mul3A_54 = arith.constant 640 : i32
      %mul3A_55 = arith.muli %arg1, %mul3A_54 : i32
      "tpu.region"() ({
        %run_scoped3A = tpu.sem_alloc : memref<!tpu.dma_semaphore, #tpu.memory_space<semaphore_mem>>
        %dma_start3A = tpu.memref_slice %arg3[%mul3A_55] : memref<10240xf32, #tpu.memory_space<hbm>> -> memref<640xf32, #tpu.memory_space<hbm>>
        %dma_start3A_56 = tpu.memref_slice %arg8[%mul3A_53] : memref<10240xf32, #tpu.memory_space<vmem_shared>> -> memref<640xf32, #tpu.memory_space<vmem_shared>>
        tpu.enqueue_dma source(%dma_start3A_56 : memref<640xf32, #tpu.memory_space<vmem_shared>>) target(%dma_start3A : memref<640xf32, #tpu.memory_space<hbm>>) target_semaphore(%run_scoped3A : memref<!tpu.dma_semaphore, #tpu.memory_space<semaphore_mem>>)
        %dma_wait3A = tpu.memref_slice %arg3[%mul3A_55] : memref<10240xf32, #tpu.memory_space<hbm>> -> memref<640xf32, #tpu.memory_space<hbm>>
        %dma_wait3A_57 = tpu.memref_slice %arg8[%mul3A_53] : memref<10240xf32, #tpu.memory_space<vmem_shared>> -> memref<640xf32, #tpu.memory_space<vmem_shared>>
        tpu.wait_dma2 semaphore(%run_scoped3A : memref<!tpu.dma_semaphore, #tpu.memory_space<semaphore_mem>>) src(%dma_wait3A_57 : memref<640xf32, #tpu.memory_space<vmem_shared>>) dst(%dma_wait3A : memref<640xf32, #tpu.memory_space<hbm>>)
        tpu.yield
      }) : () -> ()
    } else {
    }
    %eq3A_47 = arith.constant 1 : i32
    %eq3A_48 = arith.cmpi eq, %arg0, %eq3A_47 : i32
    %convert_element_type3A_49 = arith.extui %eq3A_48 : i1 to i32
    %cond3A_50 = arith.constant 0 : i32
    %cond3A_51 = arith.cmpi ne, %convert_element_type3A_49, %cond3A_50 : i32
    scf.if %cond3A_51 {
      %mul3A_52 = arith.constant 640 : i32
      %mul3A_53 = arith.muli %arg1, %mul3A_52 : i32
      %mul3A_54 = arith.constant 640 : i32
      %mul3A_55 = arith.muli %arg1, %mul3A_54 : i32
      "tpu.region"() ({
        %run_scoped3A = tpu.sem_alloc : memref<!tpu.dma_semaphore, #tpu.memory_space<semaphore_mem>>
        %dma_start3A = tpu.memref_slice %arg4[%mul3A_55] : memref<10240xf32, #tpu.memory_space<hbm>> -> memref<640xf32, #tpu.memory_space<hbm>>
        %dma_start3A_56 = tpu.memref_slice %arg8[%mul3A_53] : memref<10240xf32, #tpu.memory_space<vmem_shared>> -> memref<640xf32, #tpu.memory_space<vmem_shared>>
        tpu.enqueue_dma source(%dma_start3A_56 : memref<640xf32, #tpu.memory_space<vmem_shared>>) target(%dma_start3A : memref<640xf32, #tpu.memory_space<hbm>>) target_semaphore(%run_scoped3A : memref<!tpu.dma_semaphore, #tpu.memory_space<semaphore_mem>>)
        %dma_wait3A = tpu.memref_slice %arg4[%mul3A_55] : memref<10240xf32, #tpu.memory_space<hbm>> -> memref<640xf32, #tpu.memory_space<hbm>>
        %dma_wait3A_57 = tpu.memref_slice %arg8[%mul3A_53] : memref<10240xf32, #tpu.memory_space<vmem_shared>> -> memref<640xf32, #tpu.memory_space<vmem_shared>>
        tpu.wait_dma2 semaphore(%run_scoped3A : memref<!tpu.dma_semaphore, #tpu.memory_space<semaphore_mem>>) src(%dma_wait3A_57 : memref<640xf32, #tpu.memory_space<vmem_shared>>) dst(%dma_wait3A : memref<640xf32, #tpu.memory_space<hbm>>)
        tpu.yield
      }) : () -> ()
    } else {
    }
    return
  }
}

#map = affine_map<(d0, d1) -> (0, 0)>
#map1 = affine_map<(d0, d1) -> (0)>
module attributes {stable_mosaic.version = 14 : i64} {
  func.func @agg(%arg0: i32, %arg1: i32, %arg2: memref<10000x128xf32, #tpu.memory_space<hbm>>, %arg3: memref<320000xi32, #tpu.memory_space<hbm>>, %arg4: memref<320000xi32, #tpu.memory_space<hbm>>, %arg5: memref<10240x128xf32, #tpu.memory_space<hbm>>, %arg6: memref<10240x128xf32, #tpu.memory_space<hbm>>, %arg7: memref<80xi32, #tpu.memory_space<vmem>>, %arg8: memref<80xi32, #tpu.memory_space<vmem>>, %arg9: memref<80x128xf32, #tpu.memory_space<vmem>>, %arg10: memref<128x128xf32, #tpu.memory_space<vmem>>, %arg11: memref<10240x128xf32, #tpu.memory_space<vmem_shared>>, %arg12: memref<!tpu.dma_semaphore, #tpu.memory_space<semaphore_mem>>) attributes {dimension_semantics = [#tpu.dimension_semantics<core_parallel>, #tpu.dimension_semantics<subcore_parallel>], iteration_bounds = array<i64: 2, 16>, scalar_prefetch = 0 : i64, scratch_operands = 6 : i64, tpu.core_type = #tpu.core_type<sc_vector_subcore>, window_params = [{transform_indices = #map}, {transform_indices = #map1}, {transform_indices = #map1}, {transform_indices = #map}, {transform_indices = #map}]} {
    %scan3A = arith.constant 0 : i32
    %scan3A_0 = arith.constant 0 : i32
    %scan3A_1 = arith.constant 128 : i32
    %scan3A_2 = arith.addi %scan3A_0, %scan3A_1 : i32
    %scan3A_3 = arith.constant 1 : i32
    scf.for %scan3A_42 = %scan3A_0 to %scan3A_2 step %scan3A_3  : i32 {
      %broadcast_in_dim3A = arith.constant 0.000000e+00 : f32
      %broadcast_in_dim3A_43 = vector.broadcast %broadcast_in_dim3A : f32 to vector<16xf32>
      %swap3A = arith.index_cast %scan3A_42 : i32 to index
      %swap3A_44 = arith.constant 0 : index
      %swap3A_45 = tpu.vector_load %arg10[%swap3A, %swap3A_44] {strides = array<i32>} : memref<128x128xf32, #tpu.memory_space<vmem>>, vector<1x16xf32>,
      %swap3A_46 = vector.shape_cast %swap3A_45 : vector<1x16xf32> to vector<16xf32>
      %swap3A_47 = vector.shape_cast %broadcast_in_dim3A_43 : vector<16xf32> to vector<1x16xf32>
      tpu.vector_store %arg10[%swap3A, %swap3A_44], %swap3A_47 {strides = array<i32>} : memref<128x128xf32, #tpu.memory_space<vmem>>, vector<1x16xf32>,
      %broadcast_in_dim3A_48 = arith.constant 0.000000e+00 : f32
      %broadcast_in_dim3A_49 = vector.broadcast %broadcast_in_dim3A_48 : f32 to vector<16xf32>
      %swap3A_50 = arith.index_cast %scan3A_42 : i32 to index
      %swap3A_51 = arith.constant 16 : index
      %swap3A_52 = tpu.vector_load %arg10[%swap3A_50, %swap3A_51] {strides = array<i32>} : memref<128x128xf32, #tpu.memory_space<vmem>>, vector<1x16xf32>,
      %swap3A_53 = vector.shape_cast %swap3A_52 : vector<1x16xf32> to vector<16xf32>
      %swap3A_54 = vector.shape_cast %broadcast_in_dim3A_49 : vector<16xf32> to vector<1x16xf32>
      tpu.vector_store %arg10[%swap3A_50, %swap3A_51], %swap3A_54 {strides = array<i32>} : memref<128x128xf32, #tpu.memory_space<vmem>>, vector<1x16xf32>,
      %broadcast_in_dim3A_55 = arith.constant 0.000000e+00 : f32
      %broadcast_in_dim3A_56 = vector.broadcast %broadcast_in_dim3A_55 : f32 to vector<16xf32>
      %swap3A_57 = arith.index_cast %scan3A_42 : i32 to index
      %swap3A_58 = arith.constant 32 : index
      %swap3A_59 = tpu.vector_load %arg10[%swap3A_57, %swap3A_58] {strides = array<i32>} : memref<128x128xf32, #tpu.memory_space<vmem>>, vector<1x16xf32>,
      %swap3A_60 = vector.shape_cast %swap3A_59 : vector<1x16xf32> to vector<16xf32>
      %swap3A_61 = vector.shape_cast %broadcast_in_dim3A_56 : vector<16xf32> to vector<1x16xf32>
      tpu.vector_store %arg10[%swap3A_57, %swap3A_58], %swap3A_61 {strides = array<i32>} : memref<128x128xf32, #tpu.memory_space<vmem>>, vector<1x16xf32>,
      %broadcast_in_dim3A_62 = arith.constant 0.000000e+00 : f32
      %broadcast_in_dim3A_63 = vector.broadcast %broadcast_in_dim3A_62 : f32 to vector<16xf32>
      %swap3A_64 = arith.index_cast %scan3A_42 : i32 to index
      %swap3A_65 = arith.constant 48 : index
      %swap3A_66 = tpu.vector_load %arg10[%swap3A_64, %swap3A_65] {strides = array<i32>} : memref<128x128xf32, #tpu.memory_space<vmem>>, vector<1x16xf32>,
      %swap3A_67 = vector.shape_cast %swap3A_66 : vector<1x16xf32> to vector<16xf32>
      %swap3A_68 = vector.shape_cast %broadcast_in_dim3A_63 : vector<16xf32> to vector<1x16xf32>
      tpu.vector_store %arg10[%swap3A_64, %swap3A_65], %swap3A_68 {strides = array<i32>} : memref<128x128xf32, #tpu.memory_space<vmem>>, vector<1x16xf32>,
      %broadcast_in_dim3A_69 = arith.constant 0.000000e+00 : f32
      %broadcast_in_dim3A_70 = vector.broadcast %broadcast_in_dim3A_69 : f32 to vector<16xf32>
      %swap3A_71 = arith.index_cast %scan3A_42 : i32 to index
      %swap3A_72 = arith.constant 64 : index
      %swap3A_73 = tpu.vector_load %arg10[%swap3A_71, %swap3A_72] {strides = array<i32>} : memref<128x128xf32, #tpu.memory_space<vmem>>, vector<1x16xf32>,
      %swap3A_74 = vector.shape_cast %swap3A_73 : vector<1x16xf32> to vector<16xf32>
      %swap3A_75 = vector.shape_cast %broadcast_in_dim3A_70 : vector<16xf32> to vector<1x16xf32>
      tpu.vector_store %arg10[%swap3A_71, %swap3A_72], %swap3A_75 {strides = array<i32>} : memref<128x128xf32, #tpu.memory_space<vmem>>, vector<1x16xf32>,
      %broadcast_in_dim3A_76 = arith.constant 0.000000e+00 : f32
      %broadcast_in_dim3A_77 = vector.broadcast %broadcast_in_dim3A_76 : f32 to vector<16xf32>
      %swap3A_78 = arith.index_cast %scan3A_42 : i32 to index
      %swap3A_79 = arith.constant 80 : index
      %swap3A_80 = tpu.vector_load %arg10[%swap3A_78, %swap3A_79] {strides = array<i32>} : memref<128x128xf32, #tpu.memory_space<vmem>>, vector<1x16xf32>,
      %swap3A_81 = vector.shape_cast %swap3A_80 : vector<1x16xf32> to vector<16xf32>
      %swap3A_82 = vector.shape_cast %broadcast_in_dim3A_77 : vector<16xf32> to vector<1x16xf32>
      tpu.vector_store %arg10[%swap3A_78, %swap3A_79], %swap3A_82 {strides = array<i32>} : memref<128x128xf32, #tpu.memory_space<vmem>>, vector<1x16xf32>,
      %broadcast_in_dim3A_83 = arith.constant 0.000000e+00 : f32
      %broadcast_in_dim3A_84 = vector.broadcast %broadcast_in_dim3A_83 : f32 to vector<16xf32>
      %swap3A_85 = arith.index_cast %scan3A_42 : i32 to index
      %swap3A_86 = arith.constant 96 : index
      %swap3A_87 = tpu.vector_load %arg10[%swap3A_85, %swap3A_86] {strides = array<i32>} : memref<128x128xf32, #tpu.memory_space<vmem>>, vector<1x16xf32>,
      %swap3A_88 = vector.shape_cast %swap3A_87 : vector<1x16xf32> to vector<16xf32>
      %swap3A_89 = vector.shape_cast %broadcast_in_dim3A_84 : vector<16xf32> to vector<1x16xf32>
      tpu.vector_store %arg10[%swap3A_85, %swap3A_86], %swap3A_89 {strides = array<i32>} : memref<128x128xf32, #tpu.memory_space<vmem>>, vector<1x16xf32>,
      %broadcast_in_dim3A_90 = arith.constant 0.000000e+00 : f32
      %broadcast_in_dim3A_91 = vector.broadcast %broadcast_in_dim3A_90 : f32 to vector<16xf32>
      %swap3A_92 = arith.index_cast %scan3A_42 : i32 to index
      %swap3A_93 = arith.constant 112 : index
      %swap3A_94 = tpu.vector_load %arg10[%swap3A_92, %swap3A_93] {strides = array<i32>} : memref<128x128xf32, #tpu.memory_space<vmem>>, vector<1x16xf32>,
      %swap3A_95 = vector.shape_cast %swap3A_94 : vector<1x16xf32> to vector<16xf32>
      %swap3A_96 = vector.shape_cast %broadcast_in_dim3A_91 : vector<16xf32> to vector<1x16xf32>
      tpu.vector_store %arg10[%swap3A_92, %swap3A_93], %swap3A_96 {strides = array<i32>} : memref<128x128xf32, #tpu.memory_space<vmem>>, vector<1x16xf32>,
    }
    %scan3A_4 = arith.constant 128 : i32
    %mul3A = arith.constant 640 : i32
    %mul3A_5 = arith.muli %arg1, %mul3A : i32
    %add3A = arith.constant 0 : i32
    %add3A_6 = arith.addi %mul3A_5, %add3A : i32
    "tpu.region"() ({
      %run_scoped3A = tpu.sem_alloc : memref<!tpu.dma_semaphore, #tpu.memory_space<semaphore_mem>>
      %dma_start3A = arith.constant 0 : i32
      %dma_start3A_42 = tpu.memref_slice %arg11[%add3A_6, %dma_start3A] : memref<10240x128xf32, #tpu.memory_space<vmem_shared>> -> memref<128x128xf32, #tpu.memory_space<vmem_shared>>
      %dma_start3A_43 = arith.constant 0 : i32
      %dma_start3A_44 = tpu.memref_slice %arg11[%add3A_6, %dma_start3A_43] : memref<10240x128xf32, #tpu.memory_space<vmem_shared>> -> memref<128x128xf32, #tpu.memory_space<vmem_shared>>
      tpu.enqueue_dma source(%arg10 : memref<128x128xf32, #tpu.memory_space<vmem>>) target(%dma_start3A_44 : memref<128x128xf32, #tpu.memory_space<vmem_shared>>) target_semaphore(%run_scoped3A : memref<!tpu.dma_semaphore, #tpu.memory_space<semaphore_mem>>)
      %dma_wait3A = arith.constant 0 : i32
      %dma_wait3A_45 = tpu.memref_slice %arg11[%add3A_6, %dma_wait3A] : memref<10240x128xf32, #tpu.memory_space<vmem_shared>> -> memref<128x128xf32, #tpu.memory_space<vmem_shared>>
      %dma_wait3A_46 = arith.constant 0 : i32
      %dma_wait3A_47 = tpu.memref_slice %arg11[%add3A_6, %dma_wait3A_46] : memref<10240x128xf32, #tpu.memory_space<vmem_shared>> -> memref<128x128xf32, #tpu.memory_space<vmem_shared>>
      tpu.wait_dma2 semaphore(%run_scoped3A : memref<!tpu.dma_semaphore, #tpu.memory_space<semaphore_mem>>) src(%arg10 : memref<128x128xf32, #tpu.memory_space<vmem>>) dst(%dma_wait3A_47 : memref<128x128xf32, #tpu.memory_space<vmem_shared>>)
      tpu.yield
    }) : () -> ()
    %mul3A_7 = arith.constant 640 : i32
    %mul3A_8 = arith.muli %arg1, %mul3A_7 : i32
    %add3A_9 = arith.constant 128 : i32
    %add3A_10 = arith.addi %mul3A_8, %add3A_9 : i32
    "tpu.region"() ({
      %run_scoped3A = tpu.sem_alloc : memref<!tpu.dma_semaphore, #tpu.memory_space<semaphore_mem>>
      %dma_start3A = arith.constant 0 : i32
      %dma_start3A_42 = tpu.memref_slice %arg11[%add3A_10, %dma_start3A] : memref<10240x128xf32, #tpu.memory_space<vmem_shared>> -> memref<128x128xf32, #tpu.memory_space<vmem_shared>>
      %dma_start3A_43 = arith.constant 0 : i32
      %dma_start3A_44 = tpu.memref_slice %arg11[%add3A_10, %dma_start3A_43] : memref<10240x128xf32, #tpu.memory_space<vmem_shared>> -> memref<128x128xf32, #tpu.memory_space<vmem_shared>>
      tpu.enqueue_dma source(%arg10 : memref<128x128xf32, #tpu.memory_space<vmem>>) target(%dma_start3A_44 : memref<128x128xf32, #tpu.memory_space<vmem_shared>>) target_semaphore(%run_scoped3A : memref<!tpu.dma_semaphore, #tpu.memory_space<semaphore_mem>>)
      %dma_wait3A = arith.constant 0 : i32
      %dma_wait3A_45 = tpu.memref_slice %arg11[%add3A_10, %dma_wait3A] : memref<10240x128xf32, #tpu.memory_space<vmem_shared>> -> memref<128x128xf32, #tpu.memory_space<vmem_shared>>
      %dma_wait3A_46 = arith.constant 0 : i32
      %dma_wait3A_47 = tpu.memref_slice %arg11[%add3A_10, %dma_wait3A_46] : memref<10240x128xf32, #tpu.memory_space<vmem_shared>> -> memref<128x128xf32, #tpu.memory_space<vmem_shared>>
      tpu.wait_dma2 semaphore(%run_scoped3A : memref<!tpu.dma_semaphore, #tpu.memory_space<semaphore_mem>>) src(%arg10 : memref<128x128xf32, #tpu.memory_space<vmem>>) dst(%dma_wait3A_47 : memref<128x128xf32, #tpu.memory_space<vmem_shared>>)
      tpu.yield
    }) : () -> ()
    %mul3A_11 = arith.constant 640 : i32
    %mul3A_12 = arith.muli %arg1, %mul3A_11 : i32
    %add3A_13 = arith.constant 256 : i32
    %add3A_14 = arith.addi %mul3A_12, %add3A_13 : i32
    "tpu.region"() ({
      %run_scoped3A = tpu.sem_alloc : memref<!tpu.dma_semaphore, #tpu.memory_space<semaphore_mem>>
      %dma_start3A = arith.constant 0 : i32
      %dma_start3A_42 = tpu.memref_slice %arg11[%add3A_14, %dma_start3A] : memref<10240x128xf32, #tpu.memory_space<vmem_shared>> -> memref<128x128xf32, #tpu.memory_space<vmem_shared>>
      %dma_start3A_43 = arith.constant 0 : i32
      %dma_start3A_44 = tpu.memref_slice %arg11[%add3A_14, %dma_start3A_43] : memref<10240x128xf32, #tpu.memory_space<vmem_shared>> -> memref<128x128xf32, #tpu.memory_space<vmem_shared>>
      tpu.enqueue_dma source(%arg10 : memref<128x128xf32, #tpu.memory_space<vmem>>) target(%dma_start3A_44 : memref<128x128xf32, #tpu.memory_space<vmem_shared>>) target_semaphore(%run_scoped3A : memref<!tpu.dma_semaphore, #tpu.memory_space<semaphore_mem>>)
      %dma_wait3A = arith.constant 0 : i32
      %dma_wait3A_45 = tpu.memref_slice %arg11[%add3A_14, %dma_wait3A] : memref<10240x128xf32, #tpu.memory_space<vmem_shared>> -> memref<128x128xf32, #tpu.memory_space<vmem_shared>>
      %dma_wait3A_46 = arith.constant 0 : i32
      %dma_wait3A_47 = tpu.memref_slice %arg11[%add3A_14, %dma_wait3A_46] : memref<10240x128xf32, #tpu.memory_space<vmem_shared>> -> memref<128x128xf32, #tpu.memory_space<vmem_shared>>
      tpu.wait_dma2 semaphore(%run_scoped3A : memref<!tpu.dma_semaphore, #tpu.memory_space<semaphore_mem>>) src(%arg10 : memref<128x128xf32, #tpu.memory_space<vmem>>) dst(%dma_wait3A_47 : memref<128x128xf32, #tpu.memory_space<vmem_shared>>)
      tpu.yield
    }) : () -> ()
    %mul3A_15 = arith.constant 640 : i32
    %mul3A_16 = arith.muli %arg1, %mul3A_15 : i32
    %add3A_17 = arith.constant 384 : i32
    %add3A_18 = arith.addi %mul3A_16, %add3A_17 : i32
    "tpu.region"() ({
      %run_scoped3A = tpu.sem_alloc : memref<!tpu.dma_semaphore, #tpu.memory_space<semaphore_mem>>
      %dma_start3A = arith.constant 0 : i32
      %dma_start3A_42 = tpu.memref_slice %arg11[%add3A_18, %dma_start3A] : memref<10240x128xf32, #tpu.memory_space<vmem_shared>> -> memref<128x128xf32, #tpu.memory_space<vmem_shared>>
      %dma_start3A_43 = arith.constant 0 : i32
      %dma_start3A_44 = tpu.memref_slice %arg11[%add3A_18, %dma_start3A_43] : memref<10240x128xf32, #tpu.memory_space<vmem_shared>> -> memref<128x128xf32, #tpu.memory_space<vmem_shared>>
      tpu.enqueue_dma source(%arg10 : memref<128x128xf32, #tpu.memory_space<vmem>>) target(%dma_start3A_44 : memref<128x128xf32, #tpu.memory_space<vmem_shared>>) target_semaphore(%run_scoped3A : memref<!tpu.dma_semaphore, #tpu.memory_space<semaphore_mem>>)
      %dma_wait3A = arith.constant 0 : i32
      %dma_wait3A_45 = tpu.memref_slice %arg11[%add3A_18, %dma_wait3A] : memref<10240x128xf32, #tpu.memory_space<vmem_shared>> -> memref<128x128xf32, #tpu.memory_space<vmem_shared>>
      %dma_wait3A_46 = arith.constant 0 : i32
      %dma_wait3A_47 = tpu.memref_slice %arg11[%add3A_18, %dma_wait3A_46] : memref<10240x128xf32, #tpu.memory_space<vmem_shared>> -> memref<128x128xf32, #tpu.memory_space<vmem_shared>>
      tpu.wait_dma2 semaphore(%run_scoped3A : memref<!tpu.dma_semaphore, #tpu.memory_space<semaphore_mem>>) src(%arg10 : memref<128x128xf32, #tpu.memory_space<vmem>>) dst(%dma_wait3A_47 : memref<128x128xf32, #tpu.memory_space<vmem_shared>>)
      tpu.yield
    }) : () -> ()
    %mul3A_19 = arith.constant 640 : i32
    %mul3A_20 = arith.muli %arg1, %mul3A_19 : i32
    %add3A_21 = arith.constant 512 : i32
    %add3A_22 = arith.addi %mul3A_20, %add3A_21 : i32
    "tpu.region"() ({
      %run_scoped3A = tpu.sem_alloc : memref<!tpu.dma_semaphore, #tpu.memory_space<semaphore_mem>>
      %dma_start3A = arith.constant 0 : i32
      %dma_start3A_42 = tpu.memref_slice %arg11[%add3A_22, %dma_start3A] : memref<10240x128xf32, #tpu.memory_space<vmem_shared>> -> memref<128x128xf32, #tpu.memory_space<vmem_shared>>
      %dma_start3A_43 = arith.constant 0 : i32
      %dma_start3A_44 = tpu.memref_slice %arg11[%add3A_22, %dma_start3A_43] : memref<10240x128xf32, #tpu.memory_space<vmem_shared>> -> memref<128x128xf32, #tpu.memory_space<vmem_shared>>
      tpu.enqueue_dma source(%arg10 : memref<128x128xf32, #tpu.memory_space<vmem>>) target(%dma_start3A_44 : memref<128x128xf32, #tpu.memory_space<vmem_shared>>) target_semaphore(%run_scoped3A : memref<!tpu.dma_semaphore, #tpu.memory_space<semaphore_mem>>)
      %dma_wait3A = arith.constant 0 : i32
      %dma_wait3A_45 = tpu.memref_slice %arg11[%add3A_22, %dma_wait3A] : memref<10240x128xf32, #tpu.memory_space<vmem_shared>> -> memref<128x128xf32, #tpu.memory_space<vmem_shared>>
      %dma_wait3A_46 = arith.constant 0 : i32
      %dma_wait3A_47 = tpu.memref_slice %arg11[%add3A_22, %dma_wait3A_46] : memref<10240x128xf32, #tpu.memory_space<vmem_shared>> -> memref<128x128xf32, #tpu.memory_space<vmem_shared>>
      tpu.wait_dma2 semaphore(%run_scoped3A : memref<!tpu.dma_semaphore, #tpu.memory_space<semaphore_mem>>) src(%arg10 : memref<128x128xf32, #tpu.memory_space<vmem>>) dst(%dma_wait3A_47 : memref<128x128xf32, #tpu.memory_space<vmem_shared>>)
      tpu.yield
    }) : () -> ()
    %barrier3A = arith.constant 0 : index
    tpu.barrier barrier_id(%barrier3A)
    %mul3A_23 = arith.constant 16 : i32
    %mul3A_24 = arith.muli %arg0, %mul3A_23 : i32
    %add3A_25 = arith.addi %mul3A_24, %arg1 : i32
    %mul3A_26 = arith.constant 10000 : i32
    %mul3A_27 = arith.muli %add3A_25, %mul3A_26 : i32
    %scan3A_28 = arith.constant 0 : i32
    %scan3A_29 = arith.constant 0 : i32
    %scan3A_30 = arith.constant 125 : i32
    %scan3A_31 = arith.addi %scan3A_29, %scan3A_30 : i32
    %scan3A_32 = arith.constant 1 : i32
    scf.for %scan3A_42 = %scan3A_29 to %scan3A_31 step %scan3A_32  : i32 {
      %mul3A_43 = arith.constant 80 : i32
      %mul3A_44 = arith.muli %scan3A_42, %mul3A_43 : i32
      %add3A_45 = arith.addi %mul3A_27, %mul3A_44 : i32
      "tpu.region"() ({
        %run_scoped3A = tpu.sem_alloc : memref<!tpu.dma_semaphore, #tpu.memory_space<semaphore_mem>>
        %dma_start3A_50 = tpu.memref_slice %arg3[%add3A_45] : memref<320000xi32, #tpu.memory_space<hbm>> -> memref<80xi32, #tpu.memory_space<hbm>>
        %dma_start3A_51 = tpu.memref_slice %arg3[%add3A_45] : memref<320000xi32, #tpu.memory_space<hbm>> -> memref<80xi32, #tpu.memory_space<hbm>>
        tpu.enqueue_dma source(%dma_start3A_51 : memref<80xi32, #tpu.memory_space<hbm>>) target(%arg7 : memref<80xi32, #tpu.memory_space<vmem>>) target_semaphore(%run_scoped3A : memref<!tpu.dma_semaphore, #tpu.memory_space<semaphore_mem>>)
        %dma_wait3A_52 = tpu.memref_slice %arg3[%add3A_45] : memref<320000xi32, #tpu.memory_space<hbm>> -> memref<80xi32, #tpu.memory_space<hbm>>
        %dma_wait3A_53 = tpu.memref_slice %arg3[%add3A_45] : memref<320000xi32, #tpu.memory_space<hbm>> -> memref<80xi32, #tpu.memory_space<hbm>>
        tpu.wait_dma2 semaphore(%run_scoped3A : memref<!tpu.dma_semaphore, #tpu.memory_space<semaphore_mem>>) src(%dma_wait3A_53 : memref<80xi32, #tpu.memory_space<hbm>>) dst(%arg7 : memref<80xi32, #tpu.memory_space<vmem>>)
        tpu.yield
      }) : () -> ()
      "tpu.region"() ({
        %run_scoped3A = tpu.sem_alloc : memref<!tpu.dma_semaphore, #tpu.memory_space<semaphore_mem>>
        %dma_start3A_50 = tpu.memref_slice %arg4[%add3A_45] : memref<320000xi32, #tpu.memory_space<hbm>> -> memref<80xi32, #tpu.memory_space<hbm>>
        %dma_start3A_51 = tpu.memref_slice %arg4[%add3A_45] : memref<320000xi32, #tpu.memory_space<hbm>> -> memref<80xi32, #tpu.memory_space<hbm>>
        tpu.enqueue_dma source(%dma_start3A_51 : memref<80xi32, #tpu.memory_space<hbm>>) target(%arg8 : memref<80xi32, #tpu.memory_space<vmem>>) target_semaphore(%run_scoped3A : memref<!tpu.dma_semaphore, #tpu.memory_space<semaphore_mem>>)
        %dma_wait3A_52 = tpu.memref_slice %arg4[%add3A_45] : memref<320000xi32, #tpu.memory_space<hbm>> -> memref<80xi32, #tpu.memory_space<hbm>>
        %dma_wait3A_53 = tpu.memref_slice %arg4[%add3A_45] : memref<320000xi32, #tpu.memory_space<hbm>> -> memref<80xi32, #tpu.memory_space<hbm>>
        tpu.wait_dma2 semaphore(%run_scoped3A : memref<!tpu.dma_semaphore, #tpu.memory_space<semaphore_mem>>) src(%dma_wait3A_53 : memref<80xi32, #tpu.memory_space<hbm>>) dst(%arg8 : memref<80xi32, #tpu.memory_space<vmem>>)
        tpu.yield
      }) : () -> ()
      %dma_start3A = arith.constant 0 : i32
      %dma_start3A_46 = arith.constant 0 : i32
      %dma_start3A_47 = tpu.memref_slice %arg2[%dma_start3A, %dma_start3A_46] : memref<10000x128xf32, #tpu.memory_space<hbm>> -> memref<10000x128xf32, #tpu.memory_space<hbm>>
      tpu.enqueue_indirect_dma source(%dma_start3A_47 : memref<10000x128xf32, #tpu.memory_space<hbm>>) target(%arg9 : memref<80x128xf32, #tpu.memory_space<vmem>>) offsets(%arg7 : memref<80xi32, #tpu.memory_space<vmem>>) semaphore(%arg12 : memref<!tpu.dma_semaphore, #tpu.memory_space<semaphore_mem>>)
      %dma_wait3A = arith.constant 0 : i32
      %dma_wait3A_48 = arith.constant 0 : i32
      %dma_wait3A_49 = tpu.memref_slice %arg2[%dma_wait3A, %dma_wait3A_48] : memref<10000x128xf32, #tpu.memory_space<hbm>> -> memref<10000x128xf32, #tpu.memory_space<hbm>>
      tpu.wait_indirect_dma semaphore(%arg12 : memref<!tpu.dma_semaphore, #tpu.memory_space<semaphore_mem>>) src(%dma_wait3A_49 : memref<10000x128xf32, #tpu.memory_space<hbm>>) dst(%arg9 : memref<80x128xf32, #tpu.memory_space<vmem>>)
      "tpu.region"() ({
        %run_scoped3A = tpu.sem_alloc : memref<!tpu.dma_semaphore, #tpu.memory_space<semaphore_mem>>
        %dma_start3A_50 = arith.constant 0 : i32
        %dma_start3A_51 = arith.constant 0 : i32
        %dma_start3A_52 = tpu.memref_slice %arg11[%dma_start3A_50, %dma_start3A_51] : memref<10240x128xf32, #tpu.memory_space<vmem_shared>> -> memref<10240x128xf32, #tpu.memory_space<vmem_shared>>
        tpu.enqueue_indirect_dma source(%arg9 : memref<80x128xf32, #tpu.memory_space<vmem>>) target(%dma_start3A_52 : memref<10240x128xf32, #tpu.memory_space<vmem_shared>>) offsets(%arg8 : memref<80xi32, #tpu.memory_space<vmem>>) semaphore(%run_scoped3A : memref<!tpu.dma_semaphore, #tpu.memory_space<semaphore_mem>>) {add = true}
        %dma_wait3A_53 = arith.constant 0 : i32
        %dma_wait3A_54 = arith.constant 0 : i32
        %dma_wait3A_55 = tpu.memref_slice %arg11[%dma_wait3A_53, %dma_wait3A_54] : memref<10240x128xf32, #tpu.memory_space<vmem_shared>> -> memref<10240x128xf32, #tpu.memory_space<vmem_shared>>
        tpu.wait_indirect_dma semaphore(%run_scoped3A : memref<!tpu.dma_semaphore, #tpu.memory_space<semaphore_mem>>) src(%arg9 : memref<80x128xf32, #tpu.memory_space<vmem>>) dst(%dma_wait3A_55 : memref<10240x128xf32, #tpu.memory_space<vmem_shared>>)
        tpu.yield
      }) : () -> ()
    }
    %scan3A_33 = arith.constant 125 : i32
    %barrier3A_34 = arith.constant 0 : index
    tpu.barrier barrier_id(%barrier3A_34)
    %eq3A = arith.constant 0 : i32
    %eq3A_35 = arith.cmpi eq, %arg0, %eq3A : i32
    %convert_element_type3A = arith.extui %eq3A_35 : i1 to i32
    %cond3A = arith.constant 0 : i32
    %cond3A_36 = arith.cmpi ne, %convert_element_type3A, %cond3A : i32
    scf.if %cond3A_36 {
      %mul3A_42 = arith.constant 640 : i32
      %mul3A_43 = arith.muli %arg1, %mul3A_42 : i32
      %mul3A_44 = arith.constant 640 : i32
      %mul3A_45 = arith.muli %arg1, %mul3A_44 : i32
      "tpu.region"() ({
        %run_scoped3A = tpu.sem_alloc : memref<!tpu.dma_semaphore, #tpu.memory_space<semaphore_mem>>
        %dma_start3A = arith.constant 0 : i32
        %dma_start3A_46 = tpu.memref_slice %arg5[%mul3A_45, %dma_start3A] : memref<10240x128xf32, #tpu.memory_space<hbm>> -> memref<640x128xf32, #tpu.memory_space<hbm>>
        %dma_start3A_47 = arith.constant 0 : i32
        %dma_start3A_48 = tpu.memref_slice %arg11[%mul3A_43, %dma_start3A_47] : memref<10240x128xf32, #tpu.memory_space<vmem_shared>> -> memref<640x128xf32, #tpu.memory_space<vmem_shared>>
        tpu.enqueue_dma source(%dma_start3A_48 : memref<640x128xf32, #tpu.memory_space<vmem_shared>>) target(%dma_start3A_46 : memref<640x128xf32, #tpu.memory_space<hbm>>) target_semaphore(%run_scoped3A : memref<!tpu.dma_semaphore, #tpu.memory_space<semaphore_mem>>)
        %dma_wait3A = arith.constant 0 : i32
        %dma_wait3A_49 = tpu.memref_slice %arg5[%mul3A_45, %dma_wait3A] : memref<10240x128xf32, #tpu.memory_space<hbm>> -> memref<640x128xf32, #tpu.memory_space<hbm>>
        %dma_wait3A_50 = arith.constant 0 : i32
        %dma_wait3A_51 = tpu.memref_slice %arg11[%mul3A_43, %dma_wait3A_50] : memref<10240x128xf32, #tpu.memory_space<vmem_shared>> -> memref<640x128xf32, #tpu.memory_space<vmem_shared>>
        tpu.wait_dma2 semaphore(%run_scoped3A : memref<!tpu.dma_semaphore, #tpu.memory_space<semaphore_mem>>) src(%dma_wait3A_51 : memref<640x128xf32, #tpu.memory_space<vmem_shared>>) dst(%dma_wait3A_49 : memref<640x128xf32, #tpu.memory_space<hbm>>)
        tpu.yield
      }) : () -> ()
    } else {
    }
    %eq3A_37 = arith.constant 1 : i32
    %eq3A_38 = arith.cmpi eq, %arg0, %eq3A_37 : i32
    %convert_element_type3A_39 = arith.extui %eq3A_38 : i1 to i32
    %cond3A_40 = arith.constant 0 : i32
    %cond3A_41 = arith.cmpi ne, %convert_element_type3A_39, %cond3A_40 : i32
    scf.if %cond3A_41 {
      %mul3A_42 = arith.constant 640 : i32
      %mul3A_43 = arith.muli %arg1, %mul3A_42 : i32
      %mul3A_44 = arith.constant 640 : i32
      %mul3A_45 = arith.muli %arg1, %mul3A_44 : i32
      "tpu.region"() ({
        %run_scoped3A = tpu.sem_alloc : memref<!tpu.dma_semaphore, #tpu.memory_space<semaphore_mem>>
        %dma_start3A = arith.constant 0 : i32
        %dma_start3A_46 = tpu.memref_slice %arg6[%mul3A_45, %dma_start3A] : memref<10240x128xf32, #tpu.memory_space<hbm>> -> memref<640x128xf32, #tpu.memory_space<hbm>>
        %dma_start3A_47 = arith.constant 0 : i32
        %dma_start3A_48 = tpu.memref_slice %arg11[%mul3A_43, %dma_start3A_47] : memref<10240x128xf32, #tpu.memory_space<vmem_shared>> -> memref<640x128xf32, #tpu.memory_space<vmem_shared>>
        tpu.enqueue_dma source(%dma_start3A_48 : memref<640x128xf32, #tpu.memory_space<vmem_shared>>) target(%dma_start3A_46 : memref<640x128xf32, #tpu.memory_space<hbm>>) target_semaphore(%run_scoped3A : memref<!tpu.dma_semaphore, #tpu.memory_space<semaphore_mem>>)
        %dma_wait3A = arith.constant 0 : i32
        %dma_wait3A_49 = tpu.memref_slice %arg6[%mul3A_45, %dma_wait3A] : memref<10240x128xf32, #tpu.memory_space<hbm>> -> memref<640x128xf32, #tpu.memory_space<hbm>>
        %dma_wait3A_50 = arith.constant 0 : i32
        %dma_wait3A_51 = tpu.memref_slice %arg11[%mul3A_43, %dma_wait3A_50] : memref<10240x128xf32, #tpu.memory_space<vmem_shared>> -> memref<640x128xf32, #tpu.memory_space<vmem_shared>>
        tpu.wait_dma2 semaphore(%run_scoped3A : memref<!tpu.dma_semaphore, #tpu.memory_space<semaphore_mem>>) src(%dma_wait3A_51 : memref<640x128xf32, #tpu.memory_space<vmem_shared>>) dst(%dma_wait3A_49 : memref<640x128xf32, #tpu.memory_space<hbm>>)
        tpu.yield
      }) : () -> ()
    } else {
    }
    return
  }
}

#map = affine_map<(d0, d1) -> (0, 0)>
#map1 = affine_map<(d0, d1) -> (0)>
module attributes {stable_mosaic.version = 14 : i64} {
  func.func @agg(%arg0: i32, %arg1: i32, %arg2: memref<10000x128xf32, #tpu.memory_space<hbm>>, %arg3: memref<320000xi32, #tpu.memory_space<hbm>>, %arg4: memref<320000xi32, #tpu.memory_space<hbm>>, %arg5: memref<10240x128xf32, #tpu.memory_space<hbm>>, %arg6: memref<10240x128xf32, #tpu.memory_space<hbm>>, %arg7: memref<80xi32, #tpu.memory_space<vmem>>, %arg8: memref<80xi32, #tpu.memory_space<vmem>>, %arg9: memref<80x128xf32, #tpu.memory_space<vmem>>, %arg10: memref<128x128xf32, #tpu.memory_space<vmem>>, %arg11: memref<10240x128xf32, #tpu.memory_space<vmem_shared>>, %arg12: memref<!tpu.dma_semaphore, #tpu.memory_space<semaphore_mem>>) attributes {dimension_semantics = [#tpu.dimension_semantics<core_parallel>, #tpu.dimension_semantics<subcore_parallel>], iteration_bounds = array<i64: 2, 16>, scalar_prefetch = 0 : i64, scratch_operands = 6 : i64, tpu.core_type = #tpu.core_type<sc_vector_subcore>, window_params = [{transform_indices = #map}, {transform_indices = #map1}, {transform_indices = #map1}, {transform_indices = #map}, {transform_indices = #map}]} {
    %scan3A = arith.constant 0 : i32
    %scan3A_0 = arith.constant 0 : i32
    %scan3A_1 = arith.constant 128 : i32
    %scan3A_2 = arith.addi %scan3A_0, %scan3A_1 : i32
    %scan3A_3 = arith.constant 1 : i32
    scf.for %scan3A_42 = %scan3A_0 to %scan3A_2 step %scan3A_3  : i32 {
      %broadcast_in_dim3A = arith.constant 0.000000e+00 : f32
      %broadcast_in_dim3A_43 = vector.broadcast %broadcast_in_dim3A : f32 to vector<16xf32>
      %swap3A = arith.index_cast %scan3A_42 : i32 to index
      %swap3A_44 = arith.constant 0 : index
      %swap3A_45 = tpu.vector_load %arg10[%swap3A, %swap3A_44] {strides = array<i32>} : memref<128x128xf32, #tpu.memory_space<vmem>>, vector<1x16xf32>,
      %swap3A_46 = vector.shape_cast %swap3A_45 : vector<1x16xf32> to vector<16xf32>
      %swap3A_47 = vector.shape_cast %broadcast_in_dim3A_43 : vector<16xf32> to vector<1x16xf32>
      tpu.vector_store %arg10[%swap3A, %swap3A_44], %swap3A_47 {strides = array<i32>} : memref<128x128xf32, #tpu.memory_space<vmem>>, vector<1x16xf32>,
      %broadcast_in_dim3A_48 = arith.constant 0.000000e+00 : f32
      %broadcast_in_dim3A_49 = vector.broadcast %broadcast_in_dim3A_48 : f32 to vector<16xf32>
      %swap3A_50 = arith.index_cast %scan3A_42 : i32 to index
      %swap3A_51 = arith.constant 16 : index
      %swap3A_52 = tpu.vector_load %arg10[%swap3A_50, %swap3A_51] {strides = array<i32>} : memref<128x128xf32, #tpu.memory_space<vmem>>, vector<1x16xf32>,
      %swap3A_53 = vector.shape_cast %swap3A_52 : vector<1x16xf32> to vector<16xf32>
      %swap3A_54 = vector.shape_cast %broadcast_in_dim3A_49 : vector<16xf32> to vector<1x16xf32>
      tpu.vector_store %arg10[%swap3A_50, %swap3A_51], %swap3A_54 {strides = array<i32>} : memref<128x128xf32, #tpu.memory_space<vmem>>, vector<1x16xf32>,
      %broadcast_in_dim3A_55 = arith.constant 0.000000e+00 : f32
      %broadcast_in_dim3A_56 = vector.broadcast %broadcast_in_dim3A_55 : f32 to vector<16xf32>
      %swap3A_57 = arith.index_cast %scan3A_42 : i32 to index
      %swap3A_58 = arith.constant 32 : index
      %swap3A_59 = tpu.vector_load %arg10[%swap3A_57, %swap3A_58] {strides = array<i32>} : memref<128x128xf32, #tpu.memory_space<vmem>>, vector<1x16xf32>,
      %swap3A_60 = vector.shape_cast %swap3A_59 : vector<1x16xf32> to vector<16xf32>
      %swap3A_61 = vector.shape_cast %broadcast_in_dim3A_56 : vector<16xf32> to vector<1x16xf32>
      tpu.vector_store %arg10[%swap3A_57, %swap3A_58], %swap3A_61 {strides = array<i32>} : memref<128x128xf32, #tpu.memory_space<vmem>>, vector<1x16xf32>,
      %broadcast_in_dim3A_62 = arith.constant 0.000000e+00 : f32
      %broadcast_in_dim3A_63 = vector.broadcast %broadcast_in_dim3A_62 : f32 to vector<16xf32>
      %swap3A_64 = arith.index_cast %scan3A_42 : i32 to index
      %swap3A_65 = arith.constant 48 : index
      %swap3A_66 = tpu.vector_load %arg10[%swap3A_64, %swap3A_65] {strides = array<i32>} : memref<128x128xf32, #tpu.memory_space<vmem>>, vector<1x16xf32>,
      %swap3A_67 = vector.shape_cast %swap3A_66 : vector<1x16xf32> to vector<16xf32>
      %swap3A_68 = vector.shape_cast %broadcast_in_dim3A_63 : vector<16xf32> to vector<1x16xf32>
      tpu.vector_store %arg10[%swap3A_64, %swap3A_65], %swap3A_68 {strides = array<i32>} : memref<128x128xf32, #tpu.memory_space<vmem>>, vector<1x16xf32>,
      %broadcast_in_dim3A_69 = arith.constant 0.000000e+00 : f32
      %broadcast_in_dim3A_70 = vector.broadcast %broadcast_in_dim3A_69 : f32 to vector<16xf32>
      %swap3A_71 = arith.index_cast %scan3A_42 : i32 to index
      %swap3A_72 = arith.constant 64 : index
      %swap3A_73 = tpu.vector_load %arg10[%swap3A_71, %swap3A_72] {strides = array<i32>} : memref<128x128xf32, #tpu.memory_space<vmem>>, vector<1x16xf32>,
      %swap3A_74 = vector.shape_cast %swap3A_73 : vector<1x16xf32> to vector<16xf32>
      %swap3A_75 = vector.shape_cast %broadcast_in_dim3A_70 : vector<16xf32> to vector<1x16xf32>
      tpu.vector_store %arg10[%swap3A_71, %swap3A_72], %swap3A_75 {strides = array<i32>} : memref<128x128xf32, #tpu.memory_space<vmem>>, vector<1x16xf32>,
      %broadcast_in_dim3A_76 = arith.constant 0.000000e+00 : f32
      %broadcast_in_dim3A_77 = vector.broadcast %broadcast_in_dim3A_76 : f32 to vector<16xf32>
      %swap3A_78 = arith.index_cast %scan3A_42 : i32 to index
      %swap3A_79 = arith.constant 80 : index
      %swap3A_80 = tpu.vector_load %arg10[%swap3A_78, %swap3A_79] {strides = array<i32>} : memref<128x128xf32, #tpu.memory_space<vmem>>, vector<1x16xf32>,
      %swap3A_81 = vector.shape_cast %swap3A_80 : vector<1x16xf32> to vector<16xf32>
      %swap3A_82 = vector.shape_cast %broadcast_in_dim3A_77 : vector<16xf32> to vector<1x16xf32>
      tpu.vector_store %arg10[%swap3A_78, %swap3A_79], %swap3A_82 {strides = array<i32>} : memref<128x128xf32, #tpu.memory_space<vmem>>, vector<1x16xf32>,
      %broadcast_in_dim3A_83 = arith.constant 0.000000e+00 : f32
      %broadcast_in_dim3A_84 = vector.broadcast %broadcast_in_dim3A_83 : f32 to vector<16xf32>
      %swap3A_85 = arith.index_cast %scan3A_42 : i32 to index
      %swap3A_86 = arith.constant 96 : index
      %swap3A_87 = tpu.vector_load %arg10[%swap3A_85, %swap3A_86] {strides = array<i32>} : memref<128x128xf32, #tpu.memory_space<vmem>>, vector<1x16xf32>,
      %swap3A_88 = vector.shape_cast %swap3A_87 : vector<1x16xf32> to vector<16xf32>
      %swap3A_89 = vector.shape_cast %broadcast_in_dim3A_84 : vector<16xf32> to vector<1x16xf32>
      tpu.vector_store %arg10[%swap3A_85, %swap3A_86], %swap3A_89 {strides = array<i32>} : memref<128x128xf32, #tpu.memory_space<vmem>>, vector<1x16xf32>,
      %broadcast_in_dim3A_90 = arith.constant 0.000000e+00 : f32
      %broadcast_in_dim3A_91 = vector.broadcast %broadcast_in_dim3A_90 : f32 to vector<16xf32>
      %swap3A_92 = arith.index_cast %scan3A_42 : i32 to index
      %swap3A_93 = arith.constant 112 : index
      %swap3A_94 = tpu.vector_load %arg10[%swap3A_92, %swap3A_93] {strides = array<i32>} : memref<128x128xf32, #tpu.memory_space<vmem>>, vector<1x16xf32>,
      %swap3A_95 = vector.shape_cast %swap3A_94 : vector<1x16xf32> to vector<16xf32>
      %swap3A_96 = vector.shape_cast %broadcast_in_dim3A_91 : vector<16xf32> to vector<1x16xf32>
      tpu.vector_store %arg10[%swap3A_92, %swap3A_93], %swap3A_96 {strides = array<i32>} : memref<128x128xf32, #tpu.memory_space<vmem>>, vector<1x16xf32>,
    }
    %scan3A_4 = arith.constant 128 : i32
    %mul3A = arith.constant 640 : i32
    %mul3A_5 = arith.muli %arg1, %mul3A : i32
    %add3A = arith.constant 0 : i32
    %add3A_6 = arith.addi %mul3A_5, %add3A : i32
    "tpu.region"() ({
      %run_scoped3A = tpu.sem_alloc : memref<!tpu.dma_semaphore, #tpu.memory_space<semaphore_mem>>
      %dma_start3A = arith.constant 0 : i32
      %dma_start3A_42 = tpu.memref_slice %arg11[%add3A_6, %dma_start3A] : memref<10240x128xf32, #tpu.memory_space<vmem_shared>> -> memref<128x128xf32, #tpu.memory_space<vmem_shared>>
      %dma_start3A_43 = arith.constant 0 : i32
      %dma_start3A_44 = tpu.memref_slice %arg11[%add3A_6, %dma_start3A_43] : memref<10240x128xf32, #tpu.memory_space<vmem_shared>> -> memref<128x128xf32, #tpu.memory_space<vmem_shared>>
      tpu.enqueue_dma source(%arg10 : memref<128x128xf32, #tpu.memory_space<vmem>>) target(%dma_start3A_44 : memref<128x128xf32, #tpu.memory_space<vmem_shared>>) target_semaphore(%run_scoped3A : memref<!tpu.dma_semaphore, #tpu.memory_space<semaphore_mem>>)
      %dma_wait3A = arith.constant 0 : i32
      %dma_wait3A_45 = tpu.memref_slice %arg11[%add3A_6, %dma_wait3A] : memref<10240x128xf32, #tpu.memory_space<vmem_shared>> -> memref<128x128xf32, #tpu.memory_space<vmem_shared>>
      %dma_wait3A_46 = arith.constant 0 : i32
      %dma_wait3A_47 = tpu.memref_slice %arg11[%add3A_6, %dma_wait3A_46] : memref<10240x128xf32, #tpu.memory_space<vmem_shared>> -> memref<128x128xf32, #tpu.memory_space<vmem_shared>>
      tpu.wait_dma2 semaphore(%run_scoped3A : memref<!tpu.dma_semaphore, #tpu.memory_space<semaphore_mem>>) src(%arg10 : memref<128x128xf32, #tpu.memory_space<vmem>>) dst(%dma_wait3A_47 : memref<128x128xf32, #tpu.memory_space<vmem_shared>>)
      tpu.yield
    }) : () -> ()
    %mul3A_7 = arith.constant 640 : i32
    %mul3A_8 = arith.muli %arg1, %mul3A_7 : i32
    %add3A_9 = arith.constant 128 : i32
    %add3A_10 = arith.addi %mul3A_8, %add3A_9 : i32
    "tpu.region"() ({
      %run_scoped3A = tpu.sem_alloc : memref<!tpu.dma_semaphore, #tpu.memory_space<semaphore_mem>>
      %dma_start3A = arith.constant 0 : i32
      %dma_start3A_42 = tpu.memref_slice %arg11[%add3A_10, %dma_start3A] : memref<10240x128xf32, #tpu.memory_space<vmem_shared>> -> memref<128x128xf32, #tpu.memory_space<vmem_shared>>
      %dma_start3A_43 = arith.constant 0 : i32
      %dma_start3A_44 = tpu.memref_slice %arg11[%add3A_10, %dma_start3A_43] : memref<10240x128xf32, #tpu.memory_space<vmem_shared>> -> memref<128x128xf32, #tpu.memory_space<vmem_shared>>
      tpu.enqueue_dma source(%arg10 : memref<128x128xf32, #tpu.memory_space<vmem>>) target(%dma_start3A_44 : memref<128x128xf32, #tpu.memory_space<vmem_shared>>) target_semaphore(%run_scoped3A : memref<!tpu.dma_semaphore, #tpu.memory_space<semaphore_mem>>)
      %dma_wait3A = arith.constant 0 : i32
      %dma_wait3A_45 = tpu.memref_slice %arg11[%add3A_10, %dma_wait3A] : memref<10240x128xf32, #tpu.memory_space<vmem_shared>> -> memref<128x128xf32, #tpu.memory_space<vmem_shared>>
      %dma_wait3A_46 = arith.constant 0 : i32
      %dma_wait3A_47 = tpu.memref_slice %arg11[%add3A_10, %dma_wait3A_46] : memref<10240x128xf32, #tpu.memory_space<vmem_shared>> -> memref<128x128xf32, #tpu.memory_space<vmem_shared>>
      tpu.wait_dma2 semaphore(%run_scoped3A : memref<!tpu.dma_semaphore, #tpu.memory_space<semaphore_mem>>) src(%arg10 : memref<128x128xf32, #tpu.memory_space<vmem>>) dst(%dma_wait3A_47 : memref<128x128xf32, #tpu.memory_space<vmem_shared>>)
      tpu.yield
    }) : () -> ()
    %mul3A_11 = arith.constant 640 : i32
    %mul3A_12 = arith.muli %arg1, %mul3A_11 : i32
    %add3A_13 = arith.constant 256 : i32
    %add3A_14 = arith.addi %mul3A_12, %add3A_13 : i32
    "tpu.region"() ({
      %run_scoped3A = tpu.sem_alloc : memref<!tpu.dma_semaphore, #tpu.memory_space<semaphore_mem>>
      %dma_start3A = arith.constant 0 : i32
      %dma_start3A_42 = tpu.memref_slice %arg11[%add3A_14, %dma_start3A] : memref<10240x128xf32, #tpu.memory_space<vmem_shared>> -> memref<128x128xf32, #tpu.memory_space<vmem_shared>>
      %dma_start3A_43 = arith.constant 0 : i32
      %dma_start3A_44 = tpu.memref_slice %arg11[%add3A_14, %dma_start3A_43] : memref<10240x128xf32, #tpu.memory_space<vmem_shared>> -> memref<128x128xf32, #tpu.memory_space<vmem_shared>>
      tpu.enqueue_dma source(%arg10 : memref<128x128xf32, #tpu.memory_space<vmem>>) target(%dma_start3A_44 : memref<128x128xf32, #tpu.memory_space<vmem_shared>>) target_semaphore(%run_scoped3A : memref<!tpu.dma_semaphore, #tpu.memory_space<semaphore_mem>>)
      %dma_wait3A = arith.constant 0 : i32
      %dma_wait3A_45 = tpu.memref_slice %arg11[%add3A_14, %dma_wait3A] : memref<10240x128xf32, #tpu.memory_space<vmem_shared>> -> memref<128x128xf32, #tpu.memory_space<vmem_shared>>
      %dma_wait3A_46 = arith.constant 0 : i32
      %dma_wait3A_47 = tpu.memref_slice %arg11[%add3A_14, %dma_wait3A_46] : memref<10240x128xf32, #tpu.memory_space<vmem_shared>> -> memref<128x128xf32, #tpu.memory_space<vmem_shared>>
      tpu.wait_dma2 semaphore(%run_scoped3A : memref<!tpu.dma_semaphore, #tpu.memory_space<semaphore_mem>>) src(%arg10 : memref<128x128xf32, #tpu.memory_space<vmem>>) dst(%dma_wait3A_47 : memref<128x128xf32, #tpu.memory_space<vmem_shared>>)
      tpu.yield
    }) : () -> ()
    %mul3A_15 = arith.constant 640 : i32
    %mul3A_16 = arith.muli %arg1, %mul3A_15 : i32
    %add3A_17 = arith.constant 384 : i32
    %add3A_18 = arith.addi %mul3A_16, %add3A_17 : i32
    "tpu.region"() ({
      %run_scoped3A = tpu.sem_alloc : memref<!tpu.dma_semaphore, #tpu.memory_space<semaphore_mem>>
      %dma_start3A = arith.constant 0 : i32
      %dma_start3A_42 = tpu.memref_slice %arg11[%add3A_18, %dma_start3A] : memref<10240x128xf32, #tpu.memory_space<vmem_shared>> -> memref<128x128xf32, #tpu.memory_space<vmem_shared>>
      %dma_start3A_43 = arith.constant 0 : i32
      %dma_start3A_44 = tpu.memref_slice %arg11[%add3A_18, %dma_start3A_43] : memref<10240x128xf32, #tpu.memory_space<vmem_shared>> -> memref<128x128xf32, #tpu.memory_space<vmem_shared>>
      tpu.enqueue_dma source(%arg10 : memref<128x128xf32, #tpu.memory_space<vmem>>) target(%dma_start3A_44 : memref<128x128xf32, #tpu.memory_space<vmem_shared>>) target_semaphore(%run_scoped3A : memref<!tpu.dma_semaphore, #tpu.memory_space<semaphore_mem>>)
      %dma_wait3A = arith.constant 0 : i32
      %dma_wait3A_45 = tpu.memref_slice %arg11[%add3A_18, %dma_wait3A] : memref<10240x128xf32, #tpu.memory_space<vmem_shared>> -> memref<128x128xf32, #tpu.memory_space<vmem_shared>>
      %dma_wait3A_46 = arith.constant 0 : i32
      %dma_wait3A_47 = tpu.memref_slice %arg11[%add3A_18, %dma_wait3A_46] : memref<10240x128xf32, #tpu.memory_space<vmem_shared>> -> memref<128x128xf32, #tpu.memory_space<vmem_shared>>
      tpu.wait_dma2 semaphore(%run_scoped3A : memref<!tpu.dma_semaphore, #tpu.memory_space<semaphore_mem>>) src(%arg10 : memref<128x128xf32, #tpu.memory_space<vmem>>) dst(%dma_wait3A_47 : memref<128x128xf32, #tpu.memory_space<vmem_shared>>)
      tpu.yield
    }) : () -> ()
    %mul3A_19 = arith.constant 640 : i32
    %mul3A_20 = arith.muli %arg1, %mul3A_19 : i32
    %add3A_21 = arith.constant 512 : i32
    %add3A_22 = arith.addi %mul3A_20, %add3A_21 : i32
    "tpu.region"() ({
      %run_scoped3A = tpu.sem_alloc : memref<!tpu.dma_semaphore, #tpu.memory_space<semaphore_mem>>
      %dma_start3A = arith.constant 0 : i32
      %dma_start3A_42 = tpu.memref_slice %arg11[%add3A_22, %dma_start3A] : memref<10240x128xf32, #tpu.memory_space<vmem_shared>> -> memref<128x128xf32, #tpu.memory_space<vmem_shared>>
      %dma_start3A_43 = arith.constant 0 : i32
      %dma_start3A_44 = tpu.memref_slice %arg11[%add3A_22, %dma_start3A_43] : memref<10240x128xf32, #tpu.memory_space<vmem_shared>> -> memref<128x128xf32, #tpu.memory_space<vmem_shared>>
      tpu.enqueue_dma source(%arg10 : memref<128x128xf32, #tpu.memory_space<vmem>>) target(%dma_start3A_44 : memref<128x128xf32, #tpu.memory_space<vmem_shared>>) target_semaphore(%run_scoped3A : memref<!tpu.dma_semaphore, #tpu.memory_space<semaphore_mem>>)
      %dma_wait3A = arith.constant 0 : i32
      %dma_wait3A_45 = tpu.memref_slice %arg11[%add3A_22, %dma_wait3A] : memref<10240x128xf32, #tpu.memory_space<vmem_shared>> -> memref<128x128xf32, #tpu.memory_space<vmem_shared>>
      %dma_wait3A_46 = arith.constant 0 : i32
      %dma_wait3A_47 = tpu.memref_slice %arg11[%add3A_22, %dma_wait3A_46] : memref<10240x128xf32, #tpu.memory_space<vmem_shared>> -> memref<128x128xf32, #tpu.memory_space<vmem_shared>>
      tpu.wait_dma2 semaphore(%run_scoped3A : memref<!tpu.dma_semaphore, #tpu.memory_space<semaphore_mem>>) src(%arg10 : memref<128x128xf32, #tpu.memory_space<vmem>>) dst(%dma_wait3A_47 : memref<128x128xf32, #tpu.memory_space<vmem_shared>>)
      tpu.yield
    }) : () -> ()
    %barrier3A = arith.constant 0 : index
    tpu.barrier barrier_id(%barrier3A)
    %mul3A_23 = arith.constant 16 : i32
    %mul3A_24 = arith.muli %arg0, %mul3A_23 : i32
    %add3A_25 = arith.addi %mul3A_24, %arg1 : i32
    %mul3A_26 = arith.constant 10000 : i32
    %mul3A_27 = arith.muli %add3A_25, %mul3A_26 : i32
    %scan3A_28 = arith.constant 0 : i32
    %scan3A_29 = arith.constant 0 : i32
    %scan3A_30 = arith.constant 125 : i32
    %scan3A_31 = arith.addi %scan3A_29, %scan3A_30 : i32
    %scan3A_32 = arith.constant 1 : i32
    scf.for %scan3A_42 = %scan3A_29 to %scan3A_31 step %scan3A_32  : i32 {
      %mul3A_43 = arith.constant 80 : i32
      %mul3A_44 = arith.muli %scan3A_42, %mul3A_43 : i32
      %add3A_45 = arith.addi %mul3A_27, %mul3A_44 : i32
      "tpu.region"() ({
        %run_scoped3A = tpu.sem_alloc : memref<!tpu.dma_semaphore, #tpu.memory_space<semaphore_mem>>
        %dma_start3A_50 = tpu.memref_slice %arg3[%add3A_45] : memref<320000xi32, #tpu.memory_space<hbm>> -> memref<80xi32, #tpu.memory_space<hbm>>
        %dma_start3A_51 = tpu.memref_slice %arg3[%add3A_45] : memref<320000xi32, #tpu.memory_space<hbm>> -> memref<80xi32, #tpu.memory_space<hbm>>
        tpu.enqueue_dma source(%dma_start3A_51 : memref<80xi32, #tpu.memory_space<hbm>>) target(%arg7 : memref<80xi32, #tpu.memory_space<vmem>>) target_semaphore(%run_scoped3A : memref<!tpu.dma_semaphore, #tpu.memory_space<semaphore_mem>>)
        %dma_wait3A_52 = tpu.memref_slice %arg3[%add3A_45] : memref<320000xi32, #tpu.memory_space<hbm>> -> memref<80xi32, #tpu.memory_space<hbm>>
        %dma_wait3A_53 = tpu.memref_slice %arg3[%add3A_45] : memref<320000xi32, #tpu.memory_space<hbm>> -> memref<80xi32, #tpu.memory_space<hbm>>
        tpu.wait_dma2 semaphore(%run_scoped3A : memref<!tpu.dma_semaphore, #tpu.memory_space<semaphore_mem>>) src(%dma_wait3A_53 : memref<80xi32, #tpu.memory_space<hbm>>) dst(%arg7 : memref<80xi32, #tpu.memory_space<vmem>>)
        tpu.yield
      }) : () -> ()
      "tpu.region"() ({
        %run_scoped3A = tpu.sem_alloc : memref<!tpu.dma_semaphore, #tpu.memory_space<semaphore_mem>>
        %dma_start3A_50 = tpu.memref_slice %arg4[%add3A_45] : memref<320000xi32, #tpu.memory_space<hbm>> -> memref<80xi32, #tpu.memory_space<hbm>>
        %dma_start3A_51 = tpu.memref_slice %arg4[%add3A_45] : memref<320000xi32, #tpu.memory_space<hbm>> -> memref<80xi32, #tpu.memory_space<hbm>>
        tpu.enqueue_dma source(%dma_start3A_51 : memref<80xi32, #tpu.memory_space<hbm>>) target(%arg8 : memref<80xi32, #tpu.memory_space<vmem>>) target_semaphore(%run_scoped3A : memref<!tpu.dma_semaphore, #tpu.memory_space<semaphore_mem>>)
        %dma_wait3A_52 = tpu.memref_slice %arg4[%add3A_45] : memref<320000xi32, #tpu.memory_space<hbm>> -> memref<80xi32, #tpu.memory_space<hbm>>
        %dma_wait3A_53 = tpu.memref_slice %arg4[%add3A_45] : memref<320000xi32, #tpu.memory_space<hbm>> -> memref<80xi32, #tpu.memory_space<hbm>>
        tpu.wait_dma2 semaphore(%run_scoped3A : memref<!tpu.dma_semaphore, #tpu.memory_space<semaphore_mem>>) src(%dma_wait3A_53 : memref<80xi32, #tpu.memory_space<hbm>>) dst(%arg8 : memref<80xi32, #tpu.memory_space<vmem>>)
        tpu.yield
      }) : () -> ()
      %dma_start3A = arith.constant 0 : i32
      %dma_start3A_46 = arith.constant 0 : i32
      %dma_start3A_47 = tpu.memref_slice %arg2[%dma_start3A, %dma_start3A_46] : memref<10000x128xf32, #tpu.memory_space<hbm>> -> memref<10000x128xf32, #tpu.memory_space<hbm>>
      tpu.enqueue_indirect_dma source(%dma_start3A_47 : memref<10000x128xf32, #tpu.memory_space<hbm>>) target(%arg9 : memref<80x128xf32, #tpu.memory_space<vmem>>) offsets(%arg7 : memref<80xi32, #tpu.memory_space<vmem>>) semaphore(%arg12 : memref<!tpu.dma_semaphore, #tpu.memory_space<semaphore_mem>>)
      %dma_wait3A = arith.constant 0 : i32
      %dma_wait3A_48 = arith.constant 0 : i32
      %dma_wait3A_49 = tpu.memref_slice %arg2[%dma_wait3A, %dma_wait3A_48] : memref<10000x128xf32, #tpu.memory_space<hbm>> -> memref<10000x128xf32, #tpu.memory_space<hbm>>
      tpu.wait_indirect_dma semaphore(%arg12 : memref<!tpu.dma_semaphore, #tpu.memory_space<semaphore_mem>>) src(%dma_wait3A_49 : memref<10000x128xf32, #tpu.memory_space<hbm>>) dst(%arg9 : memref<80x128xf32, #tpu.memory_space<vmem>>)
      "tpu.region"() ({
        %run_scoped3A = tpu.sem_alloc : memref<!tpu.dma_semaphore, #tpu.memory_space<semaphore_mem>>
        %dma_start3A_50 = arith.constant 0 : i32
        %dma_start3A_51 = arith.constant 0 : i32
        %dma_start3A_52 = tpu.memref_slice %arg11[%dma_start3A_50, %dma_start3A_51] : memref<10240x128xf32, #tpu.memory_space<vmem_shared>> -> memref<10240x128xf32, #tpu.memory_space<vmem_shared>>
        tpu.enqueue_indirect_dma source(%arg9 : memref<80x128xf32, #tpu.memory_space<vmem>>) target(%dma_start3A_52 : memref<10240x128xf32, #tpu.memory_space<vmem_shared>>) offsets(%arg8 : memref<80xi32, #tpu.memory_space<vmem>>) semaphore(%run_scoped3A : memref<!tpu.dma_semaphore, #tpu.memory_space<semaphore_mem>>) {add = true}
        %dma_wait3A_53 = arith.constant 0 : i32
        %dma_wait3A_54 = arith.constant 0 : i32
        %dma_wait3A_55 = tpu.memref_slice %arg11[%dma_wait3A_53, %dma_wait3A_54] : memref<10240x128xf32, #tpu.memory_space<vmem_shared>> -> memref<10240x128xf32, #tpu.memory_space<vmem_shared>>
        tpu.wait_indirect_dma semaphore(%run_scoped3A : memref<!tpu.dma_semaphore, #tpu.memory_space<semaphore_mem>>) src(%arg9 : memref<80x128xf32, #tpu.memory_space<vmem>>) dst(%dma_wait3A_55 : memref<10240x128xf32, #tpu.memory_space<vmem_shared>>)
        tpu.yield
      }) : () -> ()
    }
    %scan3A_33 = arith.constant 125 : i32
    %barrier3A_34 = arith.constant 0 : index
    tpu.barrier barrier_id(%barrier3A_34)
    %eq3A = arith.constant 0 : i32
    %eq3A_35 = arith.cmpi eq, %arg0, %eq3A : i32
    %convert_element_type3A = arith.extui %eq3A_35 : i1 to i32
    %cond3A = arith.constant 0 : i32
    %cond3A_36 = arith.cmpi ne, %convert_element_type3A, %cond3A : i32
    scf.if %cond3A_36 {
      %mul3A_42 = arith.constant 640 : i32
      %mul3A_43 = arith.muli %arg1, %mul3A_42 : i32
      %mul3A_44 = arith.constant 640 : i32
      %mul3A_45 = arith.muli %arg1, %mul3A_44 : i32
      "tpu.region"() ({
        %run_scoped3A = tpu.sem_alloc : memref<!tpu.dma_semaphore, #tpu.memory_space<semaphore_mem>>
        %dma_start3A = arith.constant 0 : i32
        %dma_start3A_46 = tpu.memref_slice %arg5[%mul3A_45, %dma_start3A] : memref<10240x128xf32, #tpu.memory_space<hbm>> -> memref<640x128xf32, #tpu.memory_space<hbm>>
        %dma_start3A_47 = arith.constant 0 : i32
        %dma_start3A_48 = tpu.memref_slice %arg11[%mul3A_43, %dma_start3A_47] : memref<10240x128xf32, #tpu.memory_space<vmem_shared>> -> memref<640x128xf32, #tpu.memory_space<vmem_shared>>
        tpu.enqueue_dma source(%dma_start3A_48 : memref<640x128xf32, #tpu.memory_space<vmem_shared>>) target(%dma_start3A_46 : memref<640x128xf32, #tpu.memory_space<hbm>>) target_semaphore(%run_scoped3A : memref<!tpu.dma_semaphore, #tpu.memory_space<semaphore_mem>>)
        %dma_wait3A = arith.constant 0 : i32
        %dma_wait3A_49 = tpu.memref_slice %arg5[%mul3A_45, %dma_wait3A] : memref<10240x128xf32, #tpu.memory_space<hbm>> -> memref<640x128xf32, #tpu.memory_space<hbm>>
        %dma_wait3A_50 = arith.constant 0 : i32
        %dma_wait3A_51 = tpu.memref_slice %arg11[%mul3A_43, %dma_wait3A_50] : memref<10240x128xf32, #tpu.memory_space<vmem_shared>> -> memref<640x128xf32, #tpu.memory_space<vmem_shared>>
        tpu.wait_dma2 semaphore(%run_scoped3A : memref<!tpu.dma_semaphore, #tpu.memory_space<semaphore_mem>>) src(%dma_wait3A_51 : memref<640x128xf32, #tpu.memory_space<vmem_shared>>) dst(%dma_wait3A_49 : memref<640x128xf32, #tpu.memory_space<hbm>>)
        tpu.yield
      }) : () -> ()
    } else {
    }
    %eq3A_37 = arith.constant 1 : i32
    %eq3A_38 = arith.cmpi eq, %arg0, %eq3A_37 : i32
    %convert_element_type3A_39 = arith.extui %eq3A_38 : i1 to i32
    %cond3A_40 = arith.constant 0 : i32
    %cond3A_41 = arith.cmpi ne, %convert_element_type3A_39, %cond3A_40 : i32
    scf.if %cond3A_41 {
      %mul3A_42 = arith.constant 640 : i32
      %mul3A_43 = arith.muli %arg1, %mul3A_42 : i32
      %mul3A_44 = arith.constant 640 : i32
      %mul3A_45 = arith.muli %arg1, %mul3A_44 : i32
      "tpu.region"() ({
        %run_scoped3A = tpu.sem_alloc : memref<!tpu.dma_semaphore, #tpu.memory_space<semaphore_mem>>
        %dma_start3A = arith.constant 0 : i32
        %dma_start3A_46 = tpu.memref_slice %arg6[%mul3A_45, %dma_start3A] : memref<10240x128xf32, #tpu.memory_space<hbm>> -> memref<640x128xf32, #tpu.memory_space<hbm>>
        %dma_start3A_47 = arith.constant 0 : i32
        %dma_start3A_48 = tpu.memref_slice %arg11[%mul3A_43, %dma_start3A_47] : memref<10240x128xf32, #tpu.memory_space<vmem_shared>> -> memref<640x128xf32, #tpu.memory_space<vmem_shared>>
        tpu.enqueue_dma source(%dma_start3A_48 : memref<640x128xf32, #tpu.memory_space<vmem_shared>>) target(%dma_start3A_46 : memref<640x128xf32, #tpu.memory_space<hbm>>) target_semaphore(%run_scoped3A : memref<!tpu.dma_semaphore, #tpu.memory_space<semaphore_mem>>)
        %dma_wait3A = arith.constant 0 : i32
        %dma_wait3A_49 = tpu.memref_slice %arg6[%mul3A_45, %dma_wait3A] : memref<10240x128xf32, #tpu.memory_space<hbm>> -> memref<640x128xf32, #tpu.memory_space<hbm>>
        %dma_wait3A_50 = arith.constant 0 : i32
        %dma_wait3A_51 = tpu.memref_slice %arg11[%mul3A_43, %dma_wait3A_50] : memref<10240x128xf32, #tpu.memory_space<vmem_shared>> -> memref<640x128xf32, #tpu.memory_space<vmem_shared>>
        tpu.wait_dma2 semaphore(%run_scoped3A : memref<!tpu.dma_semaphore, #tpu.memory_space<semaphore_mem>>) src(%dma_wait3A_51 : memref<640x128xf32, #tpu.memory_space<vmem_shared>>) dst(%dma_wait3A_49 : memref<640x128xf32, #tpu.memory_space<hbm>>)
        tpu.yield
      }) : () -> ()
    } else {
    }
    return
  }
}

module attributes {stable_mosaic.version = 14 : i64} {
  func.func @_tc_b_body(%arg0: memref<10240xf32, #tpu.memory_space<vmem>>, %arg1: memref<10240xf32, #tpu.memory_space<vmem>>, %arg2: memref<10000x128xf32, #tpu.memory_space<vmem>>, %arg3: memref<128x128xf32, #tpu.memory_space<vmem>>, %arg4: memref<10000x128xf32, #tpu.memory_space<vmem>>) attributes {dimension_semantics = [], scalar_prefetch = 0 : i64, scratch_operands = 0 : i64, tpu.core_type = #tpu.core_type<tc>} {
    %get3A = arith.constant 0 : index
    %get3A_0 = vector.load %arg0[%get3A] : memref<10240xf32, #tpu.memory_space<vmem>>, vector<10000xf32>
    %get3A_1 = arith.constant 0 : index
    %get3A_2 = vector.load %arg1[%get3A_1] : memref<10240xf32, #tpu.memory_space<vmem>>, vector<10000xf32>
    %add3A = arith.addf %get3A_0, %get3A_2 : vector<10000xf32>
    %add3A_3 = arith.constant 1.000000e+00 : f32
    %add3A_4 = vector.broadcast %add3A_3 : f32 to vector<10000xf32>
    %add3A_5 = arith.addf %add3A, %add3A_4 : vector<10000xf32>
    %rsqrt3A = math.rsqrt %add3A_5 : vector<10000xf32>
    %get3A_6 = arith.constant 0 : index
    %get3A_7 = arith.constant 0 : index
    %get3A_8 = vector.load %arg2[%get3A_6, %get3A_7] : memref<10000x128xf32, #tpu.memory_space<vmem>>, vector<10000x128xf32>
    %get3A_9 = arith.constant 0 : index
    %get3A_10 = arith.constant 0 : index
    %get3A_11 = vector.load %arg3[%get3A_9, %get3A_10] : memref<128x128xf32, #tpu.memory_space<vmem>>, vector<128x128xf32>
    %dot_general3A = arith.constant dense<0.000000e+00> : vector<10000x128xf32>
    %dot_general3A_12 = tpu.matmul %get3A_8, %get3A_11, %dot_general3A {dimension_numbers = #tpu.dot_dimension_numbers<[1], [0], [0], [1], [0, 0, 1, 1], [], []>, transpose_lhs_hint = false} : vector<10000x128xf32>, vector<128x128xf32>, vector<10000x128xf32> -> vector<10000x128xf32>
    %broadcast_in_dim3A = vector.shape_cast %rsqrt3A : vector<10000xf32> to vector<10000x1xf32>
    %mul3A = vector.broadcast %broadcast_in_dim3A : vector<10000x1xf32> to vector<10000x128xf32>
    %mul3A_13 = arith.mulf %dot_general3A_12, %mul3A : vector<10000x128xf32>
    %swap3A = arith.constant 0 : index
    %swap3A_14 = arith.constant 0 : index
    %swap3A_15 = vector.load %arg4[%swap3A, %swap3A_14] : memref<10000x128xf32, #tpu.memory_space<vmem>>, vector<10000x128xf32>
    tpu.vector_store %arg4[%swap3A, %swap3A_14], %mul3A_13 {strides = array<i32>} : memref<10000x128xf32, #tpu.memory_space<vmem>>, vector<10000x128xf32>,
    return
  }
}

module attributes {stable_mosaic.version = 14 : i64} {
  func.func @_tc_d_body(%arg0: memref<10240xf32, #tpu.memory_space<vmem>>, %arg1: memref<10240xf32, #tpu.memory_space<vmem>>, %arg2: memref<10000x128xf32, #tpu.memory_space<vmem>>, %arg3: memref<10240x128xf32, #tpu.memory_space<vmem>>, %arg4: memref<10240x128xf32, #tpu.memory_space<vmem>>, %arg5: memref<128xf32, #tpu.memory_space<vmem>>, %arg6: memref<10000x128xf32, #tpu.memory_space<vmem>>) attributes {dimension_semantics = [], scalar_prefetch = 0 : i64, scratch_operands = 0 : i64, tpu.core_type = #tpu.core_type<tc>} {
    %get3A = arith.constant 0 : index
    %get3A_0 = vector.load %arg0[%get3A] : memref<10240xf32, #tpu.memory_space<vmem>>, vector<10000xf32>
    %get3A_1 = arith.constant 0 : index
    %get3A_2 = vector.load %arg1[%get3A_1] : memref<10240xf32, #tpu.memory_space<vmem>>, vector<10000xf32>
    %add3A = arith.addf %get3A_0, %get3A_2 : vector<10000xf32>
    %add3A_3 = arith.constant 1.000000e+00 : f32
    %add3A_4 = vector.broadcast %add3A_3 : f32 to vector<10000xf32>
    %add3A_5 = arith.addf %add3A, %add3A_4 : vector<10000xf32>
    %rsqrt3A = math.rsqrt %add3A_5 : vector<10000xf32>
    %get3A_6 = arith.constant 0 : index
    %get3A_7 = arith.constant 0 : index
    %get3A_8 = vector.load %arg3[%get3A_6, %get3A_7] : memref<10240x128xf32, #tpu.memory_space<vmem>>, vector<10000x128xf32>
    %get3A_9 = arith.constant 0 : index
    %get3A_10 = arith.constant 0 : index
    %get3A_11 = vector.load %arg4[%get3A_9, %get3A_10] : memref<10240x128xf32, #tpu.memory_space<vmem>>, vector<10000x128xf32>
    %add3A_12 = arith.addf %get3A_8, %get3A_11 : vector<10000x128xf32>
    %get3A_13 = arith.constant 0 : index
    %get3A_14 = arith.constant 0 : index
    %get3A_15 = vector.load %arg2[%get3A_13, %get3A_14] : memref<10000x128xf32, #tpu.memory_space<vmem>>, vector<10000x128xf32>
    %add3A_16 = arith.addf %add3A_12, %get3A_15 : vector<10000x128xf32>
    %broadcast_in_dim3A = vector.shape_cast %rsqrt3A : vector<10000xf32> to vector<10000x1xf32>
    %mul3A = vector.broadcast %broadcast_in_dim3A : vector<10000x1xf32> to vector<10000x128xf32>
    %mul3A_17 = arith.mulf %add3A_16, %mul3A : vector<10000x128xf32>
    %get3A_18 = arith.constant 0 : index
    %get3A_19 = vector.load %arg5[%get3A_18] : memref<128xf32, #tpu.memory_space<vmem>>, vector<128xf32>
    %broadcast_in_dim3A_20 = vector.shape_cast %get3A_19 : vector<128xf32> to vector<1x128xf32>
    %add3A_21 = vector.broadcast %broadcast_in_dim3A_20 : vector<1x128xf32> to vector<10000x128xf32>
    %add3A_22 = arith.addf %mul3A_17, %add3A_21 : vector<10000x128xf32>
    %max3A = arith.constant 0.000000e+00 : f32
    %max3A_23 = vector.broadcast %max3A : f32 to vector<10000x128xf32>
    %max3A_24 = arith.maximumf %add3A_22, %max3A_23 : vector<10000x128xf32>
    %broadcast_in_dim3A_25 = vector.shape_cast %rsqrt3A : vector<10000xf32> to vector<10000x1xf32>
    %mul3A_26 = vector.broadcast %broadcast_in_dim3A_25 : vector<10000x1xf32> to vector<10000x128xf32>
    %mul3A_27 = arith.mulf %max3A_24, %mul3A_26 : vector<10000x128xf32>
    %swap3A = arith.constant 0 : index
    %swap3A_28 = arith.constant 0 : index
    %swap3A_29 = vector.load %arg6[%swap3A, %swap3A_28] : memref<10000x128xf32, #tpu.memory_space<vmem>>, vector<10000x128xf32>
    tpu.vector_store %arg6[%swap3A, %swap3A_28], %mul3A_27 {strides = array<i32>} : memref<10000x128xf32, #tpu.memory_space<vmem>>, vector<10000x128xf32>,
    return
  }
}

module attributes {stable_mosaic.version = 14 : i64} {
  func.func @_tc_f_body(%arg0: memref<10240xf32, #tpu.memory_space<vmem>>, %arg1: memref<10240xf32, #tpu.memory_space<vmem>>, %arg2: memref<10000x128xf32, #tpu.memory_space<vmem>>, %arg3: memref<10240x128xf32, #tpu.memory_space<vmem>>, %arg4: memref<10240x128xf32, #tpu.memory_space<vmem>>, %arg5: memref<128x64xf32, #tpu.memory_space<vmem>>, %arg6: memref<64xf32, #tpu.memory_space<vmem>>, %arg7: memref<10000x64xf32, #tpu.memory_space<vmem>>) attributes {dimension_semantics = [], scalar_prefetch = 0 : i64, scratch_operands = 0 : i64, tpu.core_type = #tpu.core_type<tc>} {
    %get3A = arith.constant 0 : index
    %get3A_0 = vector.load %arg0[%get3A] : memref<10240xf32, #tpu.memory_space<vmem>>, vector<10000xf32>
    %get3A_1 = arith.constant 0 : index
    %get3A_2 = vector.load %arg1[%get3A_1] : memref<10240xf32, #tpu.memory_space<vmem>>, vector<10000xf32>
    %add3A = arith.addf %get3A_0, %get3A_2 : vector<10000xf32>
    %add3A_3 = arith.constant 1.000000e+00 : f32
    %add3A_4 = vector.broadcast %add3A_3 : f32 to vector<10000xf32>
    %add3A_5 = arith.addf %add3A, %add3A_4 : vector<10000xf32>
    %rsqrt3A = math.rsqrt %add3A_5 : vector<10000xf32>
    %get3A_6 = arith.constant 0 : index
    %get3A_7 = arith.constant 0 : index
    %get3A_8 = vector.load %arg3[%get3A_6, %get3A_7] : memref<10240x128xf32, #tpu.memory_space<vmem>>, vector<10000x128xf32>
    %get3A_9 = arith.constant 0 : index
    %get3A_10 = arith.constant 0 : index
    %get3A_11 = vector.load %arg4[%get3A_9, %get3A_10] : memref<10240x128xf32, #tpu.memory_space<vmem>>, vector<10000x128xf32>
    %add3A_12 = arith.addf %get3A_8, %get3A_11 : vector<10000x128xf32>
    %get3A_13 = arith.constant 0 : index
    %get3A_14 = arith.constant 0 : index
    %get3A_15 = vector.load %arg2[%get3A_13, %get3A_14] : memref<10000x128xf32, #tpu.memory_space<vmem>>, vector<10000x128xf32>
    %add3A_16 = arith.addf %add3A_12, %get3A_15 : vector<10000x128xf32>
    %broadcast_in_dim3A = vector.shape_cast %rsqrt3A : vector<10000xf32> to vector<10000x1xf32>
    %mul3A = vector.broadcast %broadcast_in_dim3A : vector<10000x1xf32> to vector<10000x128xf32>
    %mul3A_17 = arith.mulf %add3A_16, %mul3A : vector<10000x128xf32>
    %get3A_18 = arith.constant 0 : index
    %get3A_19 = arith.constant 0 : index
    %get3A_20 = vector.load %arg5[%get3A_18, %get3A_19] : memref<128x64xf32, #tpu.memory_space<vmem>>, vector<128x64xf32>
    %dot_general3A = arith.constant dense<0.000000e+00> : vector<10000x64xf32>
    %dot_general3A_21 = tpu.matmul %mul3A_17, %get3A_20, %dot_general3A {dimension_numbers = #tpu.dot_dimension_numbers<[1], [0], [0], [1], [0, 0, 1, 1], [], []>, transpose_lhs_hint = false} : vector<10000x128xf32>, vector<128x64xf32>, vector<10000x64xf32> -> vector<10000x64xf32>
    %get3A_22 = arith.constant 0 : index
    %get3A_23 = vector.load %arg6[%get3A_22] : memref<64xf32, #tpu.memory_space<vmem>>, vector<64xf32>
    %broadcast_in_dim3A_24 = vector.shape_cast %get3A_23 : vector<64xf32> to vector<1x64xf32>
    %add3A_25 = vector.broadcast %broadcast_in_dim3A_24 : vector<1x64xf32> to vector<10000x64xf32>
    %add3A_26 = arith.addf %dot_general3A_21, %add3A_25 : vector<10000x64xf32>
    %swap3A = arith.constant 0 : index
    %swap3A_27 = arith.constant 0 : index
    %swap3A_28 = vector.load %arg7[%swap3A, %swap3A_27] : memref<10000x64xf32, #tpu.memory_space<vmem>>, vector<10000x64xf32>
    tpu.vector_store %arg7[%swap3A, %swap3A_27], %add3A_26 {strides = array<i32>} : memref<10000x64xf32, #tpu.memory_space<vmem>>, vector<10000x64xf32>,
    return
  }
}

</mosaic_0001>

<sc_bundles>
// kernel: kernel.11.cloned.1.call-start
scs
__scs_entry_jumppad:
0x0: {  	(pc) =	sbr.rel $0x88, $3  }
0x1: {  	(tag) =	ssettag $0x0;
	lr =	simm.s32 $0x1  }
0x2: {  	[smem:$0x3F9B] =	sst lr;
	_ =	strace $0xD0000000  }
0x3: {  	_ = 	snop  }
0x4: {  	_ = 	snop  }
0x5: {  	_ = 	snop  }
0x6: {  	_ = 	snop  }
0x7: {  	_ = 	snop  }
__scs_overlays_trampoline_lowered:
0x8: {  	[smem:$0x3FAA] =	sst s0  }
0x9: {  	[smem:$0x3FAB] =	sst s1  }
0xa: {  	[smem:$0x3FAC] =	sst s2  }
0xb: {  	[smem:$0x3FAD] =	sst s3  }
0xc: {  	[smem:$0x3FAE] =	sst s4  }
0xd: {  	[smem:$0x3FAF] =	sst s5  }
0xe: {  	[smem:$0x3FB0] =	sst s6  }
0xf: {  	[smem:$0x3FB1] =	sst s7  }
0x10: {  	[smem:$0x3FB2] =	sst s8  }
0x11: {  	[smem:$0x3FB3] =	sst s9;
	s0 =	simm.s32 @!p0 $0x0  }
0x12: {  	s1 =	sld [smem:$0x3F99];
	s0 =	simm.s32 @p0 $0x1  }
0x13: {  	[smem:$0x3FB4] =	sst s0;
	s0 =	simm.s32 @!p1 $0x0  }
0x14: {  	s2 =	sld [smem:$0x3F98];
	s0 =	simm.s32 @p1 $0x1  }
0x15: {  	[smem:$0x3FB5] =	sst s0;
	s0 =	simm.s32 @!p2 $0x0  }
0x16: {  	s3 =	sld [smem:$0x3FDB];
	s0 =	simm.s32 @p2 $0x1  }
0x17: {  	s4 =	simm.s32 $0x1BF5;
	[smem:$0x3FB7] =	sst s0  }
0x18: {  	s0 =	sld [smem:$0x3F9A];
	_ =	swait.ge [sflag:s4], $0x0  }
0x19: {  	s7 =	sld [smem:$0x3F9B]  }
0x1a: {  	s8 =	sadd.s32 $0xFFFFE003, lr  }
0x1b: {  	s9 =	sadd.s32 $0xFFFFFEF7, lr;
	s5 =	simm.s32 $0xFFFFFFFF;
	p2 =	slt.u32 s8, $0xFFFFF086  }
0x1c: {  	p1 =	slt.u32 s9, $0xF7A;
	s5 =	simm.s32 @!p2 $0x0  }
0x1d: {  	s5 =	simm.s32 @p1 $0x1;
	p0 =	seq.s32 s7, s2  }
0x1e: {  	s7 =	smul.u32 @!p0 $0xF7A, s2;
	p2 =	seq.s32 @!p0 s5, $0x0  }
0x1f: {  	s9 =	smul.u32 $0xF7A, s1;
	s8 =	simm.s32 @!p0 $0x1BF5;
	p2 =	por !p2, p0  }
0x20: {  	[sflag:s8] =	ssyncset.s32 @!p0 $0xFFFFF086;
	s6 =	sadd.s32 @!p0 s3, s7;
	s7 =	simm.s32 @!p0 $0x108  }
0x21: {  	s3 =	sadd.s32 s3, s9;
	s6 =	sadd.s32 @!p0 $0x88, s6;
	s7 =	simm.s32 @p2 $0x1082  }
0x22: {  	[simem:s7], [sflag:s8] =	dma.local @!p0 [hbm:s6], $0xF7A  }
0x23: {  	s9 =	sor.u32 $0xD0000000, s2;
	s6 =	simm.s32 $0x108;
	_ =	swait.ge @!p0 [sflag:s8], $0x0  }
0x24: {  	s3 =	sadd.s32 $0x88, s3;
	s6 =	simm.s32 @!p1 $0x1082;
	[sflag:s4] =	ssyncset.s32 $0xFFFFF086  }
0x25: {  	[simem:s6], [sflag:s4] =	dma.local [hbm:s3], $0xF7A  }
0x26: {  	[smem:$0x3F9B] =	sst s1;
	(tag) =	ssettag s2;
	_ =	strace s9  }
0x27: {  	s1 =	sld [smem:$0x3FAB]  }
0x28: {  	s2 =	sld [smem:$0x3FAC]  }
0x29: {  	s4 =	sld [smem:$0x3FAE]  }
0x2a: {  	p0 =	seq.s32 s5, $0x0;
	s5 =	sld [smem:$0x3FAF]  }
0x2b: {  	s6 =	sld [smem:$0x3FB0]  }
0x2c: {  	s7 =	sld [smem:$0x3FB1]  }
0x2d: {  	s3 =	simm.s32 $0x108;
	s8 =	sld [smem:$0x3FB2]  }
0x2e: {  	s3 =	simm.s32 @!p0 $0x1082;
	s9 =	sld [smem:$0x3FB3]  }
0x2f: {  	lr =	sadd.s32 s0, s3;
	s0 =	sld [smem:$0x3FAA]  }
0x30: {  	s3 =	sld [smem:$0x3FAD]  }
0x31: {  	[smem:$0x3FB6] =	sst s10  }
0x32: {  	s10 =	sld [smem:$0x3FB4];
	_ =	sdelay $0x3  }
0x33: {  	p0 =	seq.s32 s10, $0x1;
	s10 =	sld [smem:$0x3FB6];
	_ =	sdelay $0x3  }
0x34: {  	[smem:$0x3FB6] =	sst s10  }
0x35: {  	s10 =	sld [smem:$0x3FB5];
	_ =	sdelay $0x3  }
0x36: {  	p1 =	seq.s32 s10, $0x1;
	s10 =	sld [smem:$0x3FB6];
	_ =	sdelay $0x3  }
0x37: {  	[smem:$0x3FB6] =	sst s10  }
0x38: {  	s10 =	sld [smem:$0x3FB7]  }
0x39: {  	_ = 	snop;
	(pc) =	sbr.ind lr, $3  }
0x3a: {  	_ = 	snop  }
0x3b: {  	_ = 	snop  }
0x3c: {  	p2 =	seq.s32 s10, $0x1;
	s10 =	sld [smem:$0x3FB6]  }
0x3d: {  	_ =	shalt  }
0x3e: {  	_ =	shalt  }
0x3f: {  	_ =	shalt  }
0x40: {  	_ =	shalt  }
0x41: {  	_ =	shalt  }
0x42: {  	_ =	shalt  }
0x43: {  	_ =	shalt  }
0x44: {  	_ =	shalt  }
0x45: {  	_ =	shalt  }
0x46: {  	_ =	shalt  }
0x47: {  	_ =	shalt  }
0x48: {  	_ =	shalt  }
0x49: {  	_ =	shalt  }
0x4a: {  	_ =	shalt  }
0x4b: {  	_ =	shalt  }
0x4c: {  	_ =	shalt  }
0x4d: {  	_ =	shalt  }
0x4e: {  	_ =	shalt  }
0x4f: {  	_ =	shalt  }
0x50: {  	_ =	shalt  }
0x51: {  	_ =	shalt  }
0x52: {  	_ =	shalt  }
0x53: {  	_ =	shalt  }
0x54: {  	_ =	shalt  }
0x55: {  	_ =	shalt  }
0x56: {  	_ =	shalt  }
0x57: {  	_ =	shalt  }
0x58: {  	_ =	shalt  }
0x59: {  	_ =	shalt  }
0x5a: {  	_ =	shalt  }
0x5b: {  	_ =	shalt  }
0x5c: {  	_ =	shalt  }
0x5d: {  	_ =	shalt  }
0x5e: {  	_ =	shalt  }
0x5f: {  	_ =	shalt  }
0x60: {  	_ =	shalt  }
0x61: {  	_ =	shalt  }
0x62: {  	_ =	shalt  }
0x63: {  	_ =	shalt  }
0x64: {  	_ =	shalt  }
0x65: {  	_ =	shalt  }
0x66: {  	_ =	shalt  }
0x67: {  	_ =	shalt  }
0x68: {  	_ =	shalt  }
0x69: {  	_ =	shalt  }
0x6a: {  	_ =	shalt  }
0x6b: {  	_ =	shalt  }
0x6c: {  	_ =	shalt  }
0x6d: {  	_ =	shalt  }
0x6e: {  	_ =	shalt  }
0x6f: {  	_ =	shalt  }
0x70: {  	_ =	shalt  }
0x71: {  	_ =	shalt  }
0x72: {  	_ =	shalt  }
0x73: {  	_ =	shalt  }
0x74: {  	_ =	shalt  }
0x75: {  	_ =	shalt  }
0x76: {  	_ =	shalt  }
0x77: {  	_ =	shalt  }
0x78: {  	_ =	shalt  }
0x79: {  	_ =	shalt  }
0x7a: {  	_ =	shalt  }
0x7b: {  	_ =	shalt  }
0x7c: {  	_ =	shalt  }
0x7d: {  	_ =	shalt  }
0x7e: {  	_ =	shalt  }
0x7f: {  	_ =	shalt  }
0x80: {  	_ =	shalt  }
0x81: {  	_ =	shalt  }
0x82: {  	_ =	shalt  }
0x83: {  	_ =	shalt  }
0x84: {  	_ =	shalt  }
0x85: {  	_ =	shalt  }
0x86: {  	_ =	shalt  }
0x87: {  	_ =	shalt  }
.Lfunc_end0:
.L_simem_size_0:
called_computation.1_lowered:
.L_overlay_start_0:
0x88: {  	s2 =	sld [smem:$0x3FD9]  }
0x89: {  	s3 =	sld [smem:$0x3FFE];
	_ =	sdelay $0x1  }
0x8a: {  	s1 =	srdreg.scid  }
0x8b: {  	s0 =	sand.u32 $0x1, s1  }
0x8c: {  	s17 =	sshll.u32 s0, $0xA;
	s2 =	sadd.s32 s3, s2  }
0x8d: {  	s2 =	sadd.s32 s2, s17  }
0x8e: {  	[smem:$0x3FC2] =	sst s2  }
0x8f: {  	_ = 	snop  }
0x90: {  	s2 =	sld [smem:$0x3FD0];
	(tm) =	ssettm $0x1  }
0x91: {  	s18 =	sld [smem:$0x3FFB];
	_ =	sdelay $0x3  }
0x92: {  	_ =	strace s18  }
0x93: {  	s3 =	sld [smem:$0x3FFC];
	_ =	sdelay $0x3  }
0x94: {  	_ =	strace s3  }
0x95: {  	s3 =	sld [smem:$0x3FFD];
	_ =	sdelay $0x3  }
0x96: {  	_ =	strace s3  }
0x97: {  	_ =	strace $0x8FFFFFFF  }
0x98: {  	s19 =	sld [smem:$0x3FDB];
	_ =	sdelay $0x1  }
0x99: {  	s4 =	simm.s32 $_scs_section_size  }
0x9a: {  	s5 =	simm.s32 $_size__tile_overlayer_lowered;
	s6 =	simm.s32 $_tile_overlayer_lowered  }
0x9b: {  	s22 =	simm.s32 $0x1BFF;
	s21 =	sshll.u32 s6, $0x1;
	s3 =	sadd.s32 s4, s19  }
0x9c: {  	s7 =	simm.s32 $0x0;
	s20 =	sshll.u32 s5, $0x1;
	s5 =	sadd.s32 s21, s3  }
0x9d: {  	[timem:s7], [sflag:s22] =	dma.local [hbm:s5], s20  }
0x9e: {  	_ =	swait.ge [sflag:s22], s20  }
0x9f: {  	s4 =	ssub.s32 $0x0, s20;
	[sflag:s22] =	ssyncset.done $0x0  }
0xa0: {  	[sflag:s22] =	ssyncadd.s32 s4;
	_ =	sdelay $0x1  }
0xa1: {  	s23 =	simm.s32 $0x1B8B  }
0xa2: {  	_ =	swait.ge [sflag:s23], $0x1  }
0xa3: {  	[sflag:s23] =	ssyncset.done $0x0  }
0xa4: {  	s25 =	simm.s32 $0x1B8E;
	s24 =	sld [smem:$0x3FFE];
	[sflag:s23] =	ssyncadd.s32 $0xFFFFFFFF  }
0xa5: {  	s26 =	simm.s32 $execute0_lowered;
	[smem:$0x3FD2] =	sst s25  }
0xa6: {  	s5 =	sshll.u32 s26, $0x1;
	_ =	strace $0x80000049;
	[dreg:$0x1] =	wrdreg $0xFFFFFFFF  }
0xa7: {  	s28 =	simm.s32 $_size_execute0_lowered;
	s3 =	sadd.s32 s3, s5;
	[dreg:$0x0] =	wrdreg $0x0  }
0xa8: {  	s5 =	sshll.u32 s28, $0x1;
	[dreg:$0x2] =	wrdreg s3  }
0xa9: {  	[dreg:$0x3] =	wrdreg s5  }
0xaa: {  	[dreg:$0x4] =	wrdreg $0xC0  }
0xab: {  	_ =	task [dreg:s7], $0x5FFFF  }
0xac: {  	[dreg:$0x1] =	wrdreg $0xFFFFFFFF  }
0xad: {  	[dreg:$0x0] =	wrdreg $0x60  }
0xae: {  	[dreg:$0x2] =	wrdreg s24  }
0xaf: {  	[dreg:$0x3] =	wrdreg s2  }
0xb0: {  	[dreg:$0x4] =	wrdreg $0x69000  }
0xb1: {  	[dreg:$0x5] =	wrdreg $0x9  }
0xb2: {  	_ =	task.clear_ibuf [dreg:s7], $0x6FFFF;
	_ =	strace $0x90000049  }
0xb3: {  	s29 =	simm.s32 $0x9;
	_ =	strace $0x8000004B  }
0xb4: {  	_ =	swait.ge [sflag:s29], $0x1  }
0xb5: {  	[sflag:s29] =	ssyncadd.s32 $0xFFFFFFFF  }
0xb6: {  	_ =	strace $0x9000004B  }
0xb7: {  	_ =	sfence  }
0xb8: {  	s30 =	sld [smem:$0x0];
	_ =	sdelay $0x2  }
0xb9: {  	s31 =	sshll.u32 s1, $0xD;
	s1 =	sshrl.u32 s1, $0x2  }
0xba: {  	s3 =	sand.u32 $0x4000, s31;
	s1 =	sadd.s32 s1, s30  }
0xbb: {  	s0 =	sor.u32 s3, s0;
	s1 =	sshll.u32 s1, $0x11  }
0xbc: {  	s0 =	sor.u32 s1, s0  }
0xbd: {  	s0 =	sadd.s32 $0x8F2B, s0  }
0xbe: {  	[sflag:s0] =	ssyncadd.remote.s32 $0x1  }
0xbf: {  	_ =	sfence.sel $0xFFFF  }
0xc0: {  	[dreg:$0x0] =	wrdreg $0xFFFFFFFF;
	(pc) =	sbr.abs _section_cstart, $3  }
0xc1: {  	[dreg:$0x1] =	wrdreg $0xFFFFFFFF  }
0xc2: {  	_ =	task.clear_ibuf [dreg:s7], $0x2FFFF;
	_ =	strace $0x9FFFFFFF  }
0xc3: {  	(tm) =	ssettm $0x7FFFFFFF  }
tec
execute0_lowered:
.L_overlay_start_1:
0x0: {  	(tag) =	ssettag $0x1  }
0x1: {  	s11 =	rddreg [dreg:$0x0]  }
0x2: {  	s13 =	rddreg [dreg:$0x1];
	s0 =	srdreg.scid  }
0x3: {  	s2 =	rddreg [dreg:$0x2];
	s1 =	stileid.u32  }
0x4: {  	s3 =	simm.s32 $0x0;
	s15 =	simm.s32 $0x5C400;
	s17 =	simm.s32 $0x50  }
0x5: {  	s18 =	simm.s32 $0x100;
	s19 =	simm.s32 $0x1;
	s6 =	smul.u32 $0x2710, s1  }
0x6: {  	s8 =	sand.u32 $0x1, s0;
	s0 =	rddreg [dreg:$0x3];
	s7 =	smul.u32 $0x50000, s1  }
0x7: {  	s21 =	simm.s32 $0x0;
	[smem:$0x7FF] =	sst s3;
	s16 =	smul.u32 $0x2800, s1  }
0x8: {  	s4 =	sadd.s32 $0xD200, s11;
	s20 =	sshll.u32 s1, $0x6;
	s5 =	smul.u32 $0x27100, s8  }
0x9: {  	_ =	strace $0x8000004A;
	s31 =	ssub.s32 $0x2, s8;
	p0 =	seq.s32 s8, $0x1  }
0xa: {  	s20 =	sor.u32 $0x1C02, s20;
	s7 =	sshrl.u32 s7, $0x2;
	s9 =	sshrl.u32 s31, $0x1  }
0xb: {  	s15 =	simm.s32 @!p0 $0x34400;
	s5 =	sadd.s32 s6, s5;
	s10 =	ssub.s32 s31, s9  }
0xc: {  	s14 =	sshrl.u32 s5, $0x3;
	s5 =	sadd.s32 s7, s2;
	s10 =	smax.u32 s10, $0x1  }
0xd: {  	s12 =	sadd.s32 s14, s11;
	s6 =	sadd.s32 $0x4000, s5;
	s7 =	sadd.s32 $0x8000, s5  }
0xe: {  	s8 =	sadd.s32 $0xC000, s5;
	s9 =	sadd.s32 $0x10000, s5;
	s11 =	sadd.s32 s15, s11  }
0xf: {  	s13 =	sadd.s32 s14, s13;
	s14 =	simm.s32 $0x2900;
	s15 =	simm.s32 $0x2  }
0x10: {  	v0 =	vimm.f32 $0.0e+00;
	s11 =	sadd.s32 s11, s16;
	s12 =	sadd.s32 $0x3400, s12;
	s16 =	simm.s32 $0x80  }
.LBB2_1:
0x11: {  	s22 =	simm.s32 $0x0;
	s23 =	simm.s32 $0x200  }
.LBB2_2:
0x12: {  	p0 =	sne.s32 s23, $0xFE00;
	[tilespmem:s22+$0x2970] =	vst v0  }
0x13: {  	[tilespmem:s22+$0x2900] =	vst v0  }
0x14: {  	[tilespmem:s22+$0x2910] =	vst v0  }
.Ltmp0:
0x15: {  	[tilespmem:s22+$0x2920] =	vst v0;
	(pc) =	sbr.rel @p0 .LBB2_2-.Ltmp0, $4  }
0x16: {  	[tilespmem:s22+$0x2930] =	vst v0  }
0x17: {  	[tilespmem:s22+$0x2940] =	vst v0  }
0x18: {  	[tilespmem:s22+$0x2950] =	vst v0  }
0x19: {  	[tilespmem:s22+$0x2960] =	vst v0;
	s22 =	sshra.s32 s23, $0x2;
	s23 =	sadd.s32 $0x200, s23  }
0x1a: {  	[tilespmem:s22+$0x2970] =	vst v0  }
0x1b: {  	[tilespmem:s22+$0x2900] =	vst v0  }
0x1c: {  	[tilespmem:s22+$0x2910] =	vst v0  }
0x1d: {  	[tilespmem:s22+$0x2920] =	vst v0  }
0x1e: {  	[tilespmem:s22+$0x2930] =	vst v0  }
0x1f: {  	[tilespmem:s22+$0x2940] =	vst v0  }
0x20: {  	[tilespmem:s22+$0x2950] =	vst v0  }
0x21: {  	[tilespmem:s22+$0x2960] =	vst v0  }
0x22: {  	[spmem:s5] =	stream.linear.scatter [tilespmem:s14], [sflag:$0x2], $0x4000, $0x38;
	[tilespmem:$0x1A900] =	vst v63  }
0x23: {  	_ =	swait.ge [sflag:s15], $0x4000  }
0x24: {  	[sflag:s15] =	ssyncset.done $0x0  }
0x25: {  	[sflag:s15] =	ssyncadd.s32 $0xFFFFC000  }
0x26: {  	[spmem:s6] =	stream.linear.scatter [tilespmem:s14], [sflag:$0x2], $0x4000, $0x38;
	[tilespmem:$0x1A900] =	vst v63  }
0x27: {  	_ =	swait.ge [sflag:s15], $0x4000  }
0x28: {  	[sflag:s15] =	ssyncset.done $0x0  }
0x29: {  	[sflag:s15] =	ssyncadd.s32 $0xFFFFC000  }
0x2a: {  	[spmem:s7] =	stream.linear.scatter [tilespmem:s14], [sflag:$0x2], $0x4000, $0x38;
	[tilespmem:$0x1A900] =	vst v63  }
0x2b: {  	_ =	swait.ge [sflag:s15], $0x4000  }
0x2c: {  	[sflag:s15] =	ssyncset.done $0x0  }
0x2d: {  	[sflag:s15] =	ssyncadd.s32 $0xFFFFC000  }
0x2e: {  	[spmem:s8] =	stream.linear.scatter [tilespmem:s14], [sflag:$0x2], $0x4000, $0x38;
	[tilespmem:$0x1A900] =	vst v63  }
0x2f: {  	_ =	swait.ge [sflag:s15], $0x4000  }
0x30: {  	[sflag:s15] =	ssyncset.done $0x0  }
0x31: {  	[sflag:s15] =	ssyncadd.s32 $0xFFFFC000  }
0x32: {  	[spmem:s9] =	stream.linear.scatter [tilespmem:s14], [sflag:$0x2], $0x4000, $0x38;
	[tilespmem:$0x1A900] =	vst v63  }
0x33: {  	_ =	swait.ge [sflag:s15], $0x4000  }
0x34: {  	[sflag:s15] =	ssyncset.done $0x0  }
0x35: {  	[sflag:s15] =	ssyncadd.s32 $0xFFFFC000  }
0x36: {  	s30 =	sadd.s32 $0x0, s13;
	[bflag:$0x0] =	sbarrier.arrive $0xFFFF  }
0x37: {  	[tilespmem:s3], [sflag:$0x2] =	stream.linear.gather [hbm4b:s30+s3], $0x50, $0x38;
	[tilespmem:$0x1A900] =	vst v63  }
0x38: {  	_ =	swait.ge [sflag:s15], $0x50  }
0x39: {  	[sflag:s15] =	ssyncset.done $0x0  }
0x3a: {  	s31 =	sadd.s32 $0x0, s12;
	[sflag:s15] =	ssyncadd.s32 $0xFFFFFFB0  }
0x3b: {  	[tilespmem:s16], [sflag:$0x2] =	stream.linear.gather [hbm4b:s31+s3], $0x50, $0x38;
	[tilespmem:$0x1A900] =	vst v63  }
0x3c: {  	_ =	swait.ge [sflag:s15], $0x50  }
0x3d: {  	[sflag:s15] =	ssyncset.done $0x0  }
0x3e: {  	[sflag:s15] =	ssyncadd.s32 $0xFFFFFFB0  }
0x3f: {  	[tilespmem:s18], [sflag:$0x1] =	stream.indirect.gather [hbm4b:s4+s17], $0x80, s3, s17, $0xb8;
	[tilespmem:$0x1A900] =	vst v63  }
0x40: {  	_ =	swait.ge [sflag:s19], $0x2800  }
0x41: {  	[sflag:s19] =	ssyncset.done $0x0  }
0x42: {  	[sflag:s19] =	ssyncadd.s32 $0xFFFFD800  }
0x43: {  	[spmem:s2] =	stream.indirect.scatter.add.f32 [tilespmem:s18], [sflag:$0x2], $0x80, s16, s17, $0xb8;
	[tilespmem:$0x1A900] =	vst v63  }
0x44: {  	_ =	swait.ge [sflag:s15], $0x2800  }
0x45: {  	s22 =	simm.s32 $0xA;
	s23 =	simm.s32 $0x14;
	[sflag:s15] =	ssyncset.done $0x0  }
.LBB2_4:
0x46: {  	s24 =	sadd.s32 s22, s13  }
0x47: {  	[sflag:s15] =	ssyncadd.s32 $0xFFFFD800;
	s25 =	smov.u32 s23;
	s26 =	sadd.s32 $0xA, s23  }
0x48: {  	[tilespmem:s3], [sflag:$0x2] =	stream.linear.gather [hbm4b:s24+s3], $0x50, $0x38;
	[tilespmem:$0x1A900] =	vst v63  }
0x49: {  	p0 =	sne.s32 s23, $0x4D8;
	_ =	swait.ge [sflag:s15], $0x50  }
0x4a: {  	[sflag:s15] =	ssyncset.done $0x0  }
0x4b: {  	s23 =	sadd.s32 s22, s12;
	s22 =	smov.u32 s25;
	[sflag:s15] =	ssyncadd.s32 $0xFFFFFFB0  }
0x4c: {  	[tilespmem:s16], [sflag:$0x2] =	stream.linear.gather [hbm4b:s23+s3], $0x50, $0x38;
	[tilespmem:$0x1A900] =	vst v63  }
0x4d: {  	_ =	swait.ge [sflag:s15], $0x50  }
0x4e: {  	[sflag:s15] =	ssyncset.done $0x0  }
0x4f: {  	[sflag:s15] =	ssyncadd.s32 $0xFFFFFFB0  }
0x50: {  	[tilespmem:s18], [sflag:$0x1] =	stream.indirect.gather [hbm4b:s4+s17], $0x80, s3, s17, $0xb8;
	[tilespmem:$0x1A900] =	vst v63  }
0x51: {  	_ =	swait.ge [sflag:s19], $0x2800  }
.Ltmp1:
0x52: {  	[sflag:s19] =	ssyncset.done $0x0;
	(pc) =	sbr.rel @p0 .LBB2_4-.Ltmp1, $4  }
0x53: {  	[sflag:s19] =	ssyncadd.s32 $0xFFFFD800  }
0x54: {  	[spmem:s2] =	stream.indirect.scatter.add.f32 [tilespmem:s18], [sflag:$0x2], $0x80, s16, s17, $0xb8;
	[tilespmem:$0x1A900] =	vst v63  }
0x55: {  	_ =	swait.ge [sflag:s15], $0x2800  }
0x56: {  	s23 =	smov.u32 s26;
	[sflag:s15] =	ssyncset.done $0x0  }
0x57: {  	s23 =	sadd.s32 s22, s13;
	[sflag:s15] =	ssyncadd.s32 $0xFFFFD800  }
0x58: {  	[tilespmem:s3], [sflag:$0x2] =	stream.linear.gather [hbm4b:s23+s3], $0x50, $0x38;
	[tilespmem:$0x1A900] =	vst v63  }
0x59: {  	_ =	swait.ge [sflag:s15], $0x50  }
0x5a: {  	[sflag:s15] =	ssyncset.done $0x0  }
0x5b: {  	s30 =	sadd.s32 s22, s12;
	[sflag:s15] =	ssyncadd.s32 $0xFFFFFFB0  }
0x5c: {  	[tilespmem:s16], [sflag:$0x2] =	stream.linear.gather [hbm4b:s30+s3], $0x50, $0x38;
	[tilespmem:$0x1A900] =	vst v63  }
0x5d: {  	_ =	swait.ge [sflag:s15], $0x50  }
0x5e: {  	[sflag:s15] =	ssyncset.done $0x0  }
0x5f: {  	[sflag:s15] =	ssyncadd.s32 $0xFFFFFFB0  }
0x60: {  	[tilespmem:s18], [sflag:$0x1] =	stream.indirect.gather [hbm4b:s4+s17], $0x80, s3, s17, $0xb8;
	[tilespmem:$0x1A900] =	vst v63  }
0x61: {  	_ =	swait.ge [sflag:s19], $0x2800  }
0x62: {  	[sflag:s19] =	ssyncset.done $0x0  }
0x63: {  	[sflag:s19] =	ssyncadd.s32 $0xFFFFD800  }
0x64: {  	[spmem:s2] =	stream.indirect.scatter.add.f32 [tilespmem:s18], [sflag:$0x2], $0x80, s16, s17, $0xb8;
	[tilespmem:$0x1A900] =	vst v63  }
0x65: {  	_ =	swait.ge [sflag:s15], $0x2800  }
0x66: {  	s21 =	sadd.s32 $0x1, s21;
	[sflag:s15] =	ssyncset.done $0x0  }
0x67: {  	p0 =	sne.s32 s21, s10;
	[sflag:s15] =	ssyncadd.s32 $0xFFFFD800  }
.Ltmp2:
0x68: {  	s31 =	sshrl.u32 s5, $0x3;
	[bflag:$0x0] =	sbarrier.arrive $0xFFFF;
	(pc) =	sbr.rel @p0 .LBB2_1-.Ltmp2, $4  }
0x69: {  	[hbm:s11], [sflag:s20] =	dma.local [spmem:s31], $0x2800  }
0x6a: {  	_ =	swait.ge [sflag:s15], $0x2800  }
0x6b: {  	[sflag:s15] =	ssyncset.done $0x0  }
0x6c: {  	[sflag:s15] =	ssyncadd.s32 $0xFFFFD800  }
0x6d: {  	_ =	sfence.sel $0x180000  }
0x6e: {  	[bflag:$0x0] =	sbarrier.arrive $0xFFFF  }
0x6f: {  	p0 =	sne.s32 s1, $0x0;
	_ =	strace $0x9000004A  }
0x70: {  	s0 =	sadd.s32 @!p0 $0x100000, s0;
	[bflag:$0x2] =	sbarrier.arrive $0xFFFF  }
0x71: {  	[sflag:s0] =	ssyncadd.tile.s32 @!p0 $0x1;
	_ =	shalt  }
.Lfunc_end2:
_tile_overlayer_lowered:
.L_overlay_start_2:
0x72: {  	(tag) =	ssettag $0x2  }
0x73: {  	s0 =	rddreg [dreg:$0x0];
	s2 =	stileid.u32  }
0x74: {  	s1 =	rddreg [dreg:$0x1];
	p0 =	sne.s32 s2, $0x0  }
0x75: {  	s3 =	rddreg [dreg:$0x2];
	[bflag:$0x3] =	sbarrier.arrive $0xFFFF;
	s2 =	simm.s32 @!p0 $0x1C02  }
0x76: {  	[timem:s3], [sflag:s2] =	dma.local @!p0 [hbm:s0], s1  }
0x77: {  	s0 =	simm.s32 @!p0 $0x2  }
0x78: {  	_ =	swait.ge @!p0 [sflag:s0], s1  }
0x79: {  	s1 =	ssub.s32 @!p0 $0x0, s1;
	[sflag:s0] =	ssyncset.done @!p0 $0x0  }
0x7a: {  	[sflag:s0] =	ssyncadd.s32 @!p0 s1  }
0x7b: {  	[bflag:$0x3] =	sbarrier.arrive $0xFFFF  }
0x7c: {  	_ =	shalt  }

// kernel: kernel.14.cloned.1.call-start
scs
__scs_entry_jumppad:
0x0: {  	(pc) =	sbr.rel $0x88, $3  }
0x1: {  	(tag) =	ssettag $0x0;
	lr =	simm.s32 $0x1  }
0x2: {  	[smem:$0x3F9B] =	sst lr;
	_ =	strace $0xD0000000  }
0x3: {  	_ = 	snop  }
0x4: {  	_ = 	snop  }
0x5: {  	_ = 	snop  }
0x6: {  	_ = 	snop  }
0x7: {  	_ = 	snop  }
__scs_overlays_trampoline_lowered:
0x8: {  	[smem:$0x3FAA] =	sst s0  }
0x9: {  	[smem:$0x3FAB] =	sst s1  }
0xa: {  	[smem:$0x3FAC] =	sst s2  }
0xb: {  	[smem:$0x3FAD] =	sst s3  }
0xc: {  	[smem:$0x3FAE] =	sst s4  }
0xd: {  	[smem:$0x3FAF] =	sst s5  }
0xe: {  	[smem:$0x3FB0] =	sst s6  }
0xf: {  	[smem:$0x3FB1] =	sst s7  }
0x10: {  	[smem:$0x3FB2] =	sst s8  }
0x11: {  	[smem:$0x3FB3] =	sst s9;
	s0 =	simm.s32 @!p0 $0x0  }
0x12: {  	s1 =	sld [smem:$0x3F99];
	s0 =	simm.s32 @p0 $0x1  }
0x13: {  	[smem:$0x3FB4] =	sst s0;
	s0 =	simm.s32 @!p1 $0x0  }
0x14: {  	s2 =	sld [smem:$0x3F98];
	s0 =	simm.s32 @p1 $0x1  }
0x15: {  	[smem:$0x3FB5] =	sst s0;
	s0 =	simm.s32 @!p2 $0x0  }
0x16: {  	s3 =	sld [smem:$0x3FDB];
	s0 =	simm.s32 @p2 $0x1  }
0x17: {  	s4 =	simm.s32 $0x1BF5;
	[smem:$0x3FB7] =	sst s0  }
0x18: {  	s0 =	sld [smem:$0x3F9A];
	_ =	swait.ge [sflag:s4], $0x0  }
0x19: {  	s7 =	sld [smem:$0x3F9B]  }
0x1a: {  	s8 =	sadd.s32 $0xFFFFE003, lr  }
0x1b: {  	s9 =	sadd.s32 $0xFFFFFEF7, lr;
	s5 =	simm.s32 $0xFFFFFFFF;
	p2 =	slt.u32 s8, $0xFFFFF086  }
0x1c: {  	p1 =	slt.u32 s9, $0xF7A;
	s5 =	simm.s32 @!p2 $0x0  }
0x1d: {  	s5 =	simm.s32 @p1 $0x1;
	p0 =	seq.s32 s7, s2  }
0x1e: {  	s7 =	smul.u32 @!p0 $0xF7A, s2;
	p2 =	seq.s32 @!p0 s5, $0x0  }
0x1f: {  	s9 =	smul.u32 $0xF7A, s1;
	s8 =	simm.s32 @!p0 $0x1BF5;
	p2 =	por !p2, p0  }
0x20: {  	[sflag:s8] =	ssyncset.s32 @!p0 $0xFFFFF086;
	s6 =	sadd.s32 @!p0 s3, s7;
	s7 =	simm.s32 @!p0 $0x108  }
0x21: {  	s3 =	sadd.s32 s3, s9;
	s6 =	sadd.s32 @!p0 $0x88, s6;
	s7 =	simm.s32 @p2 $0x1082  }
0x22: {  	[simem:s7], [sflag:s8] =	dma.local @!p0 [hbm:s6], $0xF7A  }
0x23: {  	s9 =	sor.u32 $0xD0000000, s2;
	s6 =	simm.s32 $0x108;
	_ =	swait.ge @!p0 [sflag:s8], $0x0  }
0x24: {  	s3 =	sadd.s32 $0x88, s3;
	s6 =	simm.s32 @!p1 $0x1082;
	[sflag:s4] =	ssyncset.s32 $0xFFFFF086  }
0x25: {  	[simem:s6], [sflag:s4] =	dma.local [hbm:s3], $0xF7A  }
0x26: {  	[smem:$0x3F9B] =	sst s1;
	(tag) =	ssettag s2;
	_ =	strace s9  }
0x27: {  	s1 =	sld [smem:$0x3FAB]  }
0x28: {  	s2 =	sld [smem:$0x3FAC]  }
0x29: {  	s4 =	sld [smem:$0x3FAE]  }
0x2a: {  	p0 =	seq.s32 s5, $0x0;
	s5 =	sld [smem:$0x3FAF]  }
0x2b: {  	s6 =	sld [smem:$0x3FB0]  }
0x2c: {  	s7 =	sld [smem:$0x3FB1]  }
0x2d: {  	s3 =	simm.s32 $0x108;
	s8 =	sld [smem:$0x3FB2]  }
0x2e: {  	s3 =	simm.s32 @!p0 $0x1082;
	s9 =	sld [smem:$0x3FB3]  }
0x2f: {  	lr =	sadd.s32 s0, s3;
	s0 =	sld [smem:$0x3FAA]  }
0x30: {  	s3 =	sld [smem:$0x3FAD]  }
0x31: {  	[smem:$0x3FB6] =	sst s10  }
0x32: {  	s10 =	sld [smem:$0x3FB4];
	_ =	sdelay $0x3  }
0x33: {  	p0 =	seq.s32 s10, $0x1;
	s10 =	sld [smem:$0x3FB6];
	_ =	sdelay $0x3  }
0x34: {  	[smem:$0x3FB6] =	sst s10  }
0x35: {  	s10 =	sld [smem:$0x3FB5];
	_ =	sdelay $0x3  }
0x36: {  	p1 =	seq.s32 s10, $0x1;
	s10 =	sld [smem:$0x3FB6];
	_ =	sdelay $0x3  }
0x37: {  	[smem:$0x3FB6] =	sst s10  }
0x38: {  	s10 =	sld [smem:$0x3FB7]  }
0x39: {  	_ = 	snop;
	(pc) =	sbr.ind lr, $3  }
0x3a: {  	_ = 	snop  }
0x3b: {  	_ = 	snop  }
0x3c: {  	p2 =	seq.s32 s10, $0x1;
	s10 =	sld [smem:$0x3FB6]  }
0x3d: {  	_ =	shalt  }
0x3e: {  	_ =	shalt  }
0x3f: {  	_ =	shalt  }
0x40: {  	_ =	shalt  }
0x41: {  	_ =	shalt  }
0x42: {  	_ =	shalt  }
0x43: {  	_ =	shalt  }
0x44: {  	_ =	shalt  }
0x45: {  	_ =	shalt  }
0x46: {  	_ =	shalt  }
0x47: {  	_ =	shalt  }
0x48: {  	_ =	shalt  }
0x49: {  	_ =	shalt  }
0x4a: {  	_ =	shalt  }
0x4b: {  	_ =	shalt  }
0x4c: {  	_ =	shalt  }
0x4d: {  	_ =	shalt  }
0x4e: {  	_ =	shalt  }
0x4f: {  	_ =	shalt  }
0x50: {  	_ =	shalt  }
0x51: {  	_ =	shalt  }
0x52: {  	_ =	shalt  }
0x53: {  	_ =	shalt  }
0x54: {  	_ =	shalt  }
0x55: {  	_ =	shalt  }
0x56: {  	_ =	shalt  }
0x57: {  	_ =	shalt  }
0x58: {  	_ =	shalt  }
0x59: {  	_ =	shalt  }
0x5a: {  	_ =	shalt  }
0x5b: {  	_ =	shalt  }
0x5c: {  	_ =	shalt  }
0x5d: {  	_ =	shalt  }
0x5e: {  	_ =	shalt  }
0x5f: {  	_ =	shalt  }
0x60: {  	_ =	shalt  }
0x61: {  	_ =	shalt  }
0x62: {  	_ =	shalt  }
0x63: {  	_ =	shalt  }
0x64: {  	_ =	shalt  }
0x65: {  	_ =	shalt  }
0x66: {  	_ =	shalt  }
0x67: {  	_ =	shalt  }
0x68: {  	_ =	shalt  }
0x69: {  	_ =	shalt  }
0x6a: {  	_ =	shalt  }
0x6b: {  	_ =	shalt  }
0x6c: {  	_ =	shalt  }
0x6d: {  	_ =	shalt  }
0x6e: {  	_ =	shalt  }
0x6f: {  	_ =	shalt  }
0x70: {  	_ =	shalt  }
0x71: {  	_ =	shalt  }
0x72: {  	_ =	shalt  }
0x73: {  	_ =	shalt  }
0x74: {  	_ =	shalt  }
0x75: {  	_ =	shalt  }
0x76: {  	_ =	shalt  }
0x77: {  	_ =	shalt  }
0x78: {  	_ =	shalt  }
0x79: {  	_ =	shalt  }
0x7a: {  	_ =	shalt  }
0x7b: {  	_ =	shalt  }
0x7c: {  	_ =	shalt  }
0x7d: {  	_ =	shalt  }
0x7e: {  	_ =	shalt  }
0x7f: {  	_ =	shalt  }
0x80: {  	_ =	shalt  }
0x81: {  	_ =	shalt  }
0x82: {  	_ =	shalt  }
0x83: {  	_ =	shalt  }
0x84: {  	_ =	shalt  }
0x85: {  	_ =	shalt  }
0x86: {  	_ =	shalt  }
0x87: {  	_ =	shalt  }
.Lfunc_end0:
.L_simem_size_0:
called_computation.2_lowered:
.L_overlay_start_0:
0x88: {  	s2 =	sld [smem:$0x3FD9]  }
0x89: {  	s3 =	sld [smem:$0x3FFE];
	_ =	sdelay $0x1  }
0x8a: {  	s1 =	srdreg.scid  }
0x8b: {  	s0 =	sand.u32 $0x1, s1  }
0x8c: {  	s17 =	sshll.u32 s0, $0xA;
	s2 =	sadd.s32 s3, s2  }
0x8d: {  	s2 =	sadd.s32 s2, s17  }
0x8e: {  	[smem:$0x3FC2] =	sst s2  }
0x8f: {  	_ = 	snop  }
0x90: {  	s2 =	sld [smem:$0x3FD0];
	(tm) =	ssettm $0x1  }
0x91: {  	s18 =	sld [smem:$0x3FFB];
	_ =	sdelay $0x3  }
0x92: {  	_ =	strace s18  }
0x93: {  	s3 =	sld [smem:$0x3FFC];
	_ =	sdelay $0x3  }
0x94: {  	_ =	strace s3  }
0x95: {  	s3 =	sld [smem:$0x3FFD];
	_ =	sdelay $0x3  }
0x96: {  	_ =	strace s3  }
0x97: {  	_ =	strace $0x8FFFFFFF  }
0x98: {  	s19 =	sld [smem:$0x3FDB];
	_ =	sdelay $0x1  }
0x99: {  	s4 =	simm.s32 $_scs_section_size  }
0x9a: {  	s5 =	simm.s32 $_size__tile_overlayer_lowered;
	s6 =	simm.s32 $_tile_overlayer_lowered  }
0x9b: {  	s22 =	simm.s32 $0x1BFF;
	s21 =	sshll.u32 s6, $0x1;
	s3 =	sadd.s32 s4, s19  }
0x9c: {  	s7 =	simm.s32 $0x0;
	s20 =	sshll.u32 s5, $0x1;
	s5 =	sadd.s32 s21, s3  }
0x9d: {  	[timem:s7], [sflag:s22] =	dma.local [hbm:s5], s20  }
0x9e: {  	_ =	swait.ge [sflag:s22], s20  }
0x9f: {  	s4 =	ssub.s32 $0x0, s20;
	[sflag:s22] =	ssyncset.done $0x0  }
0xa0: {  	[sflag:s22] =	ssyncadd.s32 s4;
	_ =	sdelay $0x1  }
0xa1: {  	s23 =	simm.s32 $0x1B8B  }
0xa2: {  	_ =	swait.ge [sflag:s23], $0x1  }
0xa3: {  	[sflag:s23] =	ssyncset.done $0x0  }
0xa4: {  	s25 =	simm.s32 $0x1B8E;
	s24 =	sld [smem:$0x3FFE];
	[sflag:s23] =	ssyncadd.s32 $0xFFFFFFFF  }
0xa5: {  	s26 =	simm.s32 $execute0_lowered;
	[smem:$0x3FD2] =	sst s25  }
0xa6: {  	s5 =	sshll.u32 s26, $0x1;
	_ =	strace $0x8000004C;
	[dreg:$0x1] =	wrdreg $0xFFFFFFFF  }
0xa7: {  	s28 =	simm.s32 $_size_execute0_lowered;
	s3 =	sadd.s32 s3, s5;
	[dreg:$0x0] =	wrdreg $0x0  }
0xa8: {  	s5 =	sshll.u32 s28, $0x1;
	[dreg:$0x2] =	wrdreg s3  }
0xa9: {  	[dreg:$0x3] =	wrdreg s5  }
0xaa: {  	[dreg:$0x4] =	wrdreg $0xC0  }
0xab: {  	_ =	task [dreg:s7], $0x5FFFF  }
0xac: {  	[dreg:$0x1] =	wrdreg $0xFFFFFFFF  }
0xad: {  	[dreg:$0x0] =	wrdreg $0x60  }
0xae: {  	[dreg:$0x2] =	wrdreg s24  }
0xaf: {  	[dreg:$0x3] =	wrdreg s2  }
0xb0: {  	[dreg:$0x4] =	wrdreg $0x69000  }
0xb1: {  	[dreg:$0x5] =	wrdreg $0x9  }
0xb2: {  	_ =	task.clear_ibuf [dreg:s7], $0x6FFFF;
	_ =	strace $0x9000004C  }
0xb3: {  	s29 =	simm.s32 $0x9;
	_ =	strace $0x8000004E  }
0xb4: {  	_ =	swait.ge [sflag:s29], $0x1  }
0xb5: {  	[sflag:s29] =	ssyncadd.s32 $0xFFFFFFFF  }
0xb6: {  	_ =	strace $0x9000004E  }
0xb7: {  	_ =	sfence  }
0xb8: {  	s30 =	sld [smem:$0x0];
	_ =	sdelay $0x2  }
0xb9: {  	s31 =	sshll.u32 s1, $0xD;
	s1 =	sshrl.u32 s1, $0x2  }
0xba: {  	s3 =	sand.u32 $0x4000, s31;
	s1 =	sadd.s32 s1, s30  }
0xbb: {  	s0 =	sor.u32 s3, s0;
	s1 =	sshll.u32 s1, $0x11  }
0xbc: {  	s0 =	sor.u32 s1, s0  }
0xbd: {  	s0 =	sadd.s32 $0x8F2B, s0  }
0xbe: {  	[sflag:s0] =	ssyncadd.remote.s32 $0x1  }
0xbf: {  	_ =	sfence.sel $0xFFFF  }
0xc0: {  	[dreg:$0x0] =	wrdreg $0xFFFFFFFF;
	(pc) =	sbr.abs _section_cstart, $3  }
0xc1: {  	[dreg:$0x1] =	wrdreg $0xFFFFFFFF  }
0xc2: {  	_ =	task.clear_ibuf [dreg:s7], $0x2FFFF;
	_ =	strace $0x9FFFFFFF  }
0xc3: {  	(tm) =	ssettm $0x7FFFFFFF  }
tec
execute0_lowered:
.L_overlay_start_1:
0x0: {  	(tag) =	ssettag $0x1  }
0x1: {  	s11 =	rddreg [dreg:$0x0]  }
0x2: {  	s13 =	rddreg [dreg:$0x1];
	s0 =	srdreg.scid  }
0x3: {  	s2 =	rddreg [dreg:$0x2];
	s1 =	stileid.u32  }
0x4: {  	s3 =	simm.s32 $0x0;
	s15 =	simm.s32 $0x5C400;
	s17 =	simm.s32 $0x50  }
0x5: {  	s18 =	simm.s32 $0x100;
	s19 =	simm.s32 $0x1;
	s6 =	smul.u32 $0x2710, s1  }
0x6: {  	s8 =	sand.u32 $0x1, s0;
	s0 =	rddreg [dreg:$0x3];
	s7 =	smul.u32 $0x50000, s1  }
0x7: {  	s21 =	simm.s32 $0x0;
	[smem:$0x7FF] =	sst s3;
	s16 =	smul.u32 $0x2800, s1  }
0x8: {  	s4 =	sadd.s32 $0xD200, s11;
	s20 =	sshll.u32 s1, $0x6;
	s5 =	smul.u32 $0x27100, s8  }
0x9: {  	_ =	strace $0x8000004D;
	s31 =	ssub.s32 $0x2, s8;
	p0 =	seq.s32 s8, $0x1  }
0xa: {  	s20 =	sor.u32 $0x1C02, s20;
	s7 =	sshrl.u32 s7, $0x2;
	s9 =	sshrl.u32 s31, $0x1  }
0xb: {  	s15 =	simm.s32 @!p0 $0x34400;
	s5 =	sadd.s32 s6, s5;
	s10 =	ssub.s32 s31, s9  }
0xc: {  	s14 =	sshrl.u32 s5, $0x3;
	s5 =	sadd.s32 s7, s2;
	s10 =	smax.u32 s10, $0x1  }
0xd: {  	s12 =	sadd.s32 s14, s11;
	s6 =	sadd.s32 $0x4000, s5;
	s7 =	sadd.s32 $0x8000, s5  }
0xe: {  	s8 =	sadd.s32 $0xC000, s5;
	s9 =	sadd.s32 $0x10000, s5;
	s11 =	sadd.s32 s15, s11  }
0xf: {  	s13 =	sadd.s32 s14, s13;
	s14 =	simm.s32 $0x2900;
	s15 =	simm.s32 $0x2  }
0x10: {  	v0 =	vimm.f32 $0.0e+00;
	s11 =	sadd.s32 s11, s16;
	s12 =	sadd.s32 $0x3400, s12;
	s16 =	simm.s32 $0x80  }
.LBB2_1:
0x11: {  	s22 =	simm.s32 $0x0;
	s23 =	simm.s32 $0x200  }
.LBB2_2:
0x12: {  	p0 =	sne.s32 s23, $0xFE00;
	[tilespmem:s22+$0x2970] =	vst v0  }
0x13: {  	[tilespmem:s22+$0x2900] =	vst v0  }
0x14: {  	[tilespmem:s22+$0x2910] =	vst v0  }
.Ltmp0:
0x15: {  	[tilespmem:s22+$0x2920] =	vst v0;
	(pc) =	sbr.rel @p0 .LBB2_2-.Ltmp0, $4  }
0x16: {  	[tilespmem:s22+$0x2930] =	vst v0  }
0x17: {  	[tilespmem:s22+$0x2940] =	vst v0  }
0x18: {  	[tilespmem:s22+$0x2950] =	vst v0  }
0x19: {  	[tilespmem:s22+$0x2960] =	vst v0;
	s22 =	sshra.s32 s23, $0x2;
	s23 =	sadd.s32 $0x200, s23  }
0x1a: {  	[tilespmem:s22+$0x2970] =	vst v0  }
0x1b: {  	[tilespmem:s22+$0x2900] =	vst v0  }
0x1c: {  	[tilespmem:s22+$0x2910] =	vst v0  }
0x1d: {  	[tilespmem:s22+$0x2920] =	vst v0  }
0x1e: {  	[tilespmem:s22+$0x2930] =	vst v0  }
0x1f: {  	[tilespmem:s22+$0x2940] =	vst v0  }
0x20: {  	[tilespmem:s22+$0x2950] =	vst v0  }
0x21: {  	[tilespmem:s22+$0x2960] =	vst v0  }
0x22: {  	[spmem:s5] =	stream.linear.scatter [tilespmem:s14], [sflag:$0x2], $0x4000, $0x38;
	[tilespmem:$0x1A900] =	vst v63  }
0x23: {  	_ =	swait.ge [sflag:s15], $0x4000  }
0x24: {  	[sflag:s15] =	ssyncset.done $0x0  }
0x25: {  	[sflag:s15] =	ssyncadd.s32 $0xFFFFC000  }
0x26: {  	[spmem:s6] =	stream.linear.scatter [tilespmem:s14], [sflag:$0x2], $0x4000, $0x38;
	[tilespmem:$0x1A900] =	vst v63  }
0x27: {  	_ =	swait.ge [sflag:s15], $0x4000  }
0x28: {  	[sflag:s15] =	ssyncset.done $0x0  }
0x29: {  	[sflag:s15] =	ssyncadd.s32 $0xFFFFC000  }
0x2a: {  	[spmem:s7] =	stream.linear.scatter [tilespmem:s14], [sflag:$0x2], $0x4000, $0x38;
	[tilespmem:$0x1A900] =	vst v63  }
0x2b: {  	_ =	swait.ge [sflag:s15], $0x4000  }
0x2c: {  	[sflag:s15] =	ssyncset.done $0x0  }
0x2d: {  	[sflag:s15] =	ssyncadd.s32 $0xFFFFC000  }
0x2e: {  	[spmem:s8] =	stream.linear.scatter [tilespmem:s14], [sflag:$0x2], $0x4000, $0x38;
	[tilespmem:$0x1A900] =	vst v63  }
0x2f: {  	_ =	swait.ge [sflag:s15], $0x4000  }
0x30: {  	[sflag:s15] =	ssyncset.done $0x0  }
0x31: {  	[sflag:s15] =	ssyncadd.s32 $0xFFFFC000  }
0x32: {  	[spmem:s9] =	stream.linear.scatter [tilespmem:s14], [sflag:$0x2], $0x4000, $0x38;
	[tilespmem:$0x1A900] =	vst v63  }
0x33: {  	_ =	swait.ge [sflag:s15], $0x4000  }
0x34: {  	[sflag:s15] =	ssyncset.done $0x0  }
0x35: {  	[sflag:s15] =	ssyncadd.s32 $0xFFFFC000  }
0x36: {  	s30 =	sadd.s32 $0x0, s13;
	[bflag:$0x0] =	sbarrier.arrive $0xFFFF  }
0x37: {  	[tilespmem:s3], [sflag:$0x2] =	stream.linear.gather [hbm4b:s30+s3], $0x50, $0x38;
	[tilespmem:$0x1A900] =	vst v63  }
0x38: {  	_ =	swait.ge [sflag:s15], $0x50  }
0x39: {  	[sflag:s15] =	ssyncset.done $0x0  }
0x3a: {  	s31 =	sadd.s32 $0x0, s12;
	[sflag:s15] =	ssyncadd.s32 $0xFFFFFFB0  }
0x3b: {  	[tilespmem:s16], [sflag:$0x2] =	stream.linear.gather [hbm4b:s31+s3], $0x50, $0x38;
	[tilespmem:$0x1A900] =	vst v63  }
0x3c: {  	_ =	swait.ge [sflag:s15], $0x50  }
0x3d: {  	[sflag:s15] =	ssyncset.done $0x0  }
0x3e: {  	[sflag:s15] =	ssyncadd.s32 $0xFFFFFFB0  }
0x3f: {  	[tilespmem:s18], [sflag:$0x1] =	stream.indirect.gather [hbm4b:s4+s17], $0x80, s3, s17, $0xb8;
	[tilespmem:$0x1A900] =	vst v63  }
0x40: {  	_ =	swait.ge [sflag:s19], $0x2800  }
0x41: {  	[sflag:s19] =	ssyncset.done $0x0  }
0x42: {  	[sflag:s19] =	ssyncadd.s32 $0xFFFFD800  }
0x43: {  	[spmem:s2] =	stream.indirect.scatter.add.f32 [tilespmem:s18], [sflag:$0x2], $0x80, s16, s17, $0xb8;
	[tilespmem:$0x1A900] =	vst v63  }
0x44: {  	_ =	swait.ge [sflag:s15], $0x2800  }
0x45: {  	s22 =	simm.s32 $0xA;
	s23 =	simm.s32 $0x14;
	[sflag:s15] =	ssyncset.done $0x0  }
.LBB2_4:
0x46: {  	s24 =	sadd.s32 s22, s13  }
0x47: {  	[sflag:s15] =	ssyncadd.s32 $0xFFFFD800;
	s25 =	smov.u32 s23;
	s26 =	sadd.s32 $0xA, s23  }
0x48: {  	[tilespmem:s3], [sflag:$0x2] =	stream.linear.gather [hbm4b:s24+s3], $0x50, $0x38;
	[tilespmem:$0x1A900] =	vst v63  }
0x49: {  	p0 =	sne.s32 s23, $0x4D8;
	_ =	swait.ge [sflag:s15], $0x50  }
0x4a: {  	[sflag:s15] =	ssyncset.done $0x0  }
0x4b: {  	s23 =	sadd.s32 s22, s12;
	s22 =	smov.u32 s25;
	[sflag:s15] =	ssyncadd.s32 $0xFFFFFFB0  }
0x4c: {  	[tilespmem:s16], [sflag:$0x2] =	stream.linear.gather [hbm4b:s23+s3], $0x50, $0x38;
	[tilespmem:$0x1A900] =	vst v63  }
0x4d: {  	_ =	swait.ge [sflag:s15], $0x50  }
0x4e: {  	[sflag:s15] =	ssyncset.done $0x0  }
0x4f: {  	[sflag:s15] =	ssyncadd.s32 $0xFFFFFFB0  }
0x50: {  	[tilespmem:s18], [sflag:$0x1] =	stream.indirect.gather [hbm4b:s4+s17], $0x80, s3, s17, $0xb8;
	[tilespmem:$0x1A900] =	vst v63  }
0x51: {  	_ =	swait.ge [sflag:s19], $0x2800  }
.Ltmp1:
0x52: {  	[sflag:s19] =	ssyncset.done $0x0;
	(pc) =	sbr.rel @p0 .LBB2_4-.Ltmp1, $4  }
0x53: {  	[sflag:s19] =	ssyncadd.s32 $0xFFFFD800  }
0x54: {  	[spmem:s2] =	stream.indirect.scatter.add.f32 [tilespmem:s18], [sflag:$0x2], $0x80, s16, s17, $0xb8;
	[tilespmem:$0x1A900] =	vst v63  }
0x55: {  	_ =	swait.ge [sflag:s15], $0x2800  }
0x56: {  	s23 =	smov.u32 s26;
	[sflag:s15] =	ssyncset.done $0x0  }
0x57: {  	s23 =	sadd.s32 s22, s13;
	[sflag:s15] =	ssyncadd.s32 $0xFFFFD800  }
0x58: {  	[tilespmem:s3], [sflag:$0x2] =	stream.linear.gather [hbm4b:s23+s3], $0x50, $0x38;
	[tilespmem:$0x1A900] =	vst v63  }
0x59: {  	_ =	swait.ge [sflag:s15], $0x50  }
0x5a: {  	[sflag:s15] =	ssyncset.done $0x0  }
0x5b: {  	s30 =	sadd.s32 s22, s12;
	[sflag:s15] =	ssyncadd.s32 $0xFFFFFFB0  }
0x5c: {  	[tilespmem:s16], [sflag:$0x2] =	stream.linear.gather [hbm4b:s30+s3], $0x50, $0x38;
	[tilespmem:$0x1A900] =	vst v63  }
0x5d: {  	_ =	swait.ge [sflag:s15], $0x50  }
0x5e: {  	[sflag:s15] =	ssyncset.done $0x0  }
0x5f: {  	[sflag:s15] =	ssyncadd.s32 $0xFFFFFFB0  }
0x60: {  	[tilespmem:s18], [sflag:$0x1] =	stream.indirect.gather [hbm4b:s4+s17], $0x80, s3, s17, $0xb8;
	[tilespmem:$0x1A900] =	vst v63  }
0x61: {  	_ =	swait.ge [sflag:s19], $0x2800  }
0x62: {  	[sflag:s19] =	ssyncset.done $0x0  }
0x63: {  	[sflag:s19] =	ssyncadd.s32 $0xFFFFD800  }
0x64: {  	[spmem:s2] =	stream.indirect.scatter.add.f32 [tilespmem:s18], [sflag:$0x2], $0x80, s16, s17, $0xb8;
	[tilespmem:$0x1A900] =	vst v63  }
0x65: {  	_ =	swait.ge [sflag:s15], $0x2800  }
0x66: {  	s21 =	sadd.s32 $0x1, s21;
	[sflag:s15] =	ssyncset.done $0x0  }
0x67: {  	p0 =	sne.s32 s21, s10;
	[sflag:s15] =	ssyncadd.s32 $0xFFFFD800  }
.Ltmp2:
0x68: {  	s31 =	sshrl.u32 s5, $0x3;
	[bflag:$0x0] =	sbarrier.arrive $0xFFFF;
	(pc) =	sbr.rel @p0 .LBB2_1-.Ltmp2, $4  }
0x69: {  	[hbm:s11], [sflag:s20] =	dma.local [spmem:s31], $0x2800  }
0x6a: {  	_ =	swait.ge [sflag:s15], $0x2800  }
0x6b: {  	[sflag:s15] =	ssyncset.done $0x0  }
0x6c: {  	[sflag:s15] =	ssyncadd.s32 $0xFFFFD800  }
0x6d: {  	_ =	sfence.sel $0x180000  }
0x6e: {  	[bflag:$0x0] =	sbarrier.arrive $0xFFFF  }
0x6f: {  	p0 =	sne.s32 s1, $0x0;
	_ =	strace $0x9000004D  }
0x70: {  	s0 =	sadd.s32 @!p0 $0x100000, s0;
	[bflag:$0x2] =	sbarrier.arrive $0xFFFF  }
0x71: {  	[sflag:s0] =	ssyncadd.tile.s32 @!p0 $0x1;
	_ =	shalt  }
.Lfunc_end2:
_tile_overlayer_lowered:
.L_overlay_start_2:
0x72: {  	(tag) =	ssettag $0x2  }
0x73: {  	s0 =	rddreg [dreg:$0x0];
	s2 =	stileid.u32  }
0x74: {  	s1 =	rddreg [dreg:$0x1];
	p0 =	sne.s32 s2, $0x0  }
0x75: {  	s3 =	rddreg [dreg:$0x2];
	[bflag:$0x3] =	sbarrier.arrive $0xFFFF;
	s2 =	simm.s32 @!p0 $0x1C02  }
0x76: {  	[timem:s3], [sflag:s2] =	dma.local @!p0 [hbm:s0], s1  }
0x77: {  	s0 =	simm.s32 @!p0 $0x2  }
0x78: {  	_ =	swait.ge @!p0 [sflag:s0], s1  }
0x79: {  	s1 =	ssub.s32 @!p0 $0x0, s1;
	[sflag:s0] =	ssyncset.done @!p0 $0x0  }
0x7a: {  	[sflag:s0] =	ssyncadd.s32 @!p0 s1  }
0x7b: {  	[bflag:$0x3] =	sbarrier.arrive $0xFFFF  }
0x7c: {  	_ =	shalt  }

// kernel: kernel.8.cloned.1.call-start
scs
__scs_entry_jumppad:
0x0: {  	(pc) =	sbr.rel $0x88, $3  }
0x1: {  	(tag) =	ssettag $0x0;
	lr =	simm.s32 $0x1  }
0x2: {  	[smem:$0x3F9B] =	sst lr;
	_ =	strace $0xD0000000  }
0x3: {  	_ = 	snop  }
0x4: {  	_ = 	snop  }
0x5: {  	_ = 	snop  }
0x6: {  	_ = 	snop  }
0x7: {  	_ = 	snop  }
__scs_overlays_trampoline_lowered:
0x8: {  	[smem:$0x3FAA] =	sst s0  }
0x9: {  	[smem:$0x3FAB] =	sst s1  }
0xa: {  	[smem:$0x3FAC] =	sst s2  }
0xb: {  	[smem:$0x3FAD] =	sst s3  }
0xc: {  	[smem:$0x3FAE] =	sst s4  }
0xd: {  	[smem:$0x3FAF] =	sst s5  }
0xe: {  	[smem:$0x3FB0] =	sst s6  }
0xf: {  	[smem:$0x3FB1] =	sst s7  }
0x10: {  	[smem:$0x3FB2] =	sst s8  }
0x11: {  	[smem:$0x3FB3] =	sst s9;
	s0 =	simm.s32 @!p0 $0x0  }
0x12: {  	s1 =	sld [smem:$0x3F99];
	s0 =	simm.s32 @p0 $0x1  }
0x13: {  	[smem:$0x3FB4] =	sst s0;
	s0 =	simm.s32 @!p1 $0x0  }
0x14: {  	s2 =	sld [smem:$0x3F98];
	s0 =	simm.s32 @p1 $0x1  }
0x15: {  	[smem:$0x3FB5] =	sst s0;
	s0 =	simm.s32 @!p2 $0x0  }
0x16: {  	s3 =	sld [smem:$0x3FDB];
	s0 =	simm.s32 @p2 $0x1  }
0x17: {  	s4 =	simm.s32 $0x1BF5;
	[smem:$0x3FB7] =	sst s0  }
0x18: {  	s0 =	sld [smem:$0x3F9A];
	_ =	swait.ge [sflag:s4], $0x0  }
0x19: {  	s7 =	sld [smem:$0x3F9B]  }
0x1a: {  	s8 =	sadd.s32 $0xFFFFE003, lr  }
0x1b: {  	s9 =	sadd.s32 $0xFFFFFEF7, lr;
	s5 =	simm.s32 $0xFFFFFFFF;
	p2 =	slt.u32 s8, $0xFFFFF086  }
0x1c: {  	p1 =	slt.u32 s9, $0xF7A;
	s5 =	simm.s32 @!p2 $0x0  }
0x1d: {  	s5 =	simm.s32 @p1 $0x1;
	p0 =	seq.s32 s7, s2  }
0x1e: {  	s7 =	smul.u32 @!p0 $0xF7A, s2;
	p2 =	seq.s32 @!p0 s5, $0x0  }
0x1f: {  	s9 =	smul.u32 $0xF7A, s1;
	s8 =	simm.s32 @!p0 $0x1BF5;
	p2 =	por !p2, p0  }
0x20: {  	[sflag:s8] =	ssyncset.s32 @!p0 $0xFFFFF086;
	s6 =	sadd.s32 @!p0 s3, s7;
	s7 =	simm.s32 @!p0 $0x108  }
0x21: {  	s3 =	sadd.s32 s3, s9;
	s6 =	sadd.s32 @!p0 $0x88, s6;
	s7 =	simm.s32 @p2 $0x1082  }
0x22: {  	[simem:s7], [sflag:s8] =	dma.local @!p0 [hbm:s6], $0xF7A  }
0x23: {  	s9 =	sor.u32 $0xD0000000, s2;
	s6 =	simm.s32 $0x108;
	_ =	swait.ge @!p0 [sflag:s8], $0x0  }
0x24: {  	s3 =	sadd.s32 $0x88, s3;
	s6 =	simm.s32 @!p1 $0x1082;
	[sflag:s4] =	ssyncset.s32 $0xFFFFF086  }
0x25: {  	[simem:s6], [sflag:s4] =	dma.local [hbm:s3], $0xF7A  }
0x26: {  	[smem:$0x3F9B] =	sst s1;
	(tag) =	ssettag s2;
	_ =	strace s9  }
0x27: {  	s1 =	sld [smem:$0x3FAB]  }
0x28: {  	s2 =	sld [smem:$0x3FAC]  }
0x29: {  	s4 =	sld [smem:$0x3FAE]  }
0x2a: {  	p0 =	seq.s32 s5, $0x0;
	s5 =	sld [smem:$0x3FAF]  }
0x2b: {  	s6 =	sld [smem:$0x3FB0]  }
0x2c: {  	s7 =	sld [smem:$0x3FB1]  }
0x2d: {  	s3 =	simm.s32 $0x108;
	s8 =	sld [smem:$0x3FB2]  }
0x2e: {  	s3 =	simm.s32 @!p0 $0x1082;
	s9 =	sld [smem:$0x3FB3]  }
0x2f: {  	lr =	sadd.s32 s0, s3;
	s0 =	sld [smem:$0x3FAA]  }
0x30: {  	s3 =	sld [smem:$0x3FAD]  }
0x31: {  	[smem:$0x3FB6] =	sst s10  }
0x32: {  	s10 =	sld [smem:$0x3FB4];
	_ =	sdelay $0x3  }
0x33: {  	p0 =	seq.s32 s10, $0x1;
	s10 =	sld [smem:$0x3FB6];
	_ =	sdelay $0x3  }
0x34: {  	[smem:$0x3FB6] =	sst s10  }
0x35: {  	s10 =	sld [smem:$0x3FB5];
	_ =	sdelay $0x3  }
0x36: {  	p1 =	seq.s32 s10, $0x1;
	s10 =	sld [smem:$0x3FB6];
	_ =	sdelay $0x3  }
0x37: {  	[smem:$0x3FB6] =	sst s10  }
0x38: {  	s10 =	sld [smem:$0x3FB7]  }
0x39: {  	_ = 	snop;
	(pc) =	sbr.ind lr, $3  }
0x3a: {  	_ = 	snop  }
0x3b: {  	_ = 	snop  }
0x3c: {  	p2 =	seq.s32 s10, $0x1;
	s10 =	sld [smem:$0x3FB6]  }
0x3d: {  	_ =	shalt  }
0x3e: {  	_ =	shalt  }
0x3f: {  	_ =	shalt  }
0x40: {  	_ =	shalt  }
0x41: {  	_ =	shalt  }
0x42: {  	_ =	shalt  }
0x43: {  	_ =	shalt  }
0x44: {  	_ =	shalt  }
0x45: {  	_ =	shalt  }
0x46: {  	_ =	shalt  }
0x47: {  	_ =	shalt  }
0x48: {  	_ =	shalt  }
0x49: {  	_ =	shalt  }
0x4a: {  	_ =	shalt  }
0x4b: {  	_ =	shalt  }
0x4c: {  	_ =	shalt  }
0x4d: {  	_ =	shalt  }
0x4e: {  	_ =	shalt  }
0x4f: {  	_ =	shalt  }
0x50: {  	_ =	shalt  }
0x51: {  	_ =	shalt  }
0x52: {  	_ =	shalt  }
0x53: {  	_ =	shalt  }
0x54: {  	_ =	shalt  }
0x55: {  	_ =	shalt  }
0x56: {  	_ =	shalt  }
0x57: {  	_ =	shalt  }
0x58: {  	_ =	shalt  }
0x59: {  	_ =	shalt  }
0x5a: {  	_ =	shalt  }
0x5b: {  	_ =	shalt  }
0x5c: {  	_ =	shalt  }
0x5d: {  	_ =	shalt  }
0x5e: {  	_ =	shalt  }
0x5f: {  	_ =	shalt  }
0x60: {  	_ =	shalt  }
0x61: {  	_ =	shalt  }
0x62: {  	_ =	shalt  }
0x63: {  	_ =	shalt  }
0x64: {  	_ =	shalt  }
0x65: {  	_ =	shalt  }
0x66: {  	_ =	shalt  }
0x67: {  	_ =	shalt  }
0x68: {  	_ =	shalt  }
0x69: {  	_ =	shalt  }
0x6a: {  	_ =	shalt  }
0x6b: {  	_ =	shalt  }
0x6c: {  	_ =	shalt  }
0x6d: {  	_ =	shalt  }
0x6e: {  	_ =	shalt  }
0x6f: {  	_ =	shalt  }
0x70: {  	_ =	shalt  }
0x71: {  	_ =	shalt  }
0x72: {  	_ =	shalt  }
0x73: {  	_ =	shalt  }
0x74: {  	_ =	shalt  }
0x75: {  	_ =	shalt  }
0x76: {  	_ =	shalt  }
0x77: {  	_ =	shalt  }
0x78: {  	_ =	shalt  }
0x79: {  	_ =	shalt  }
0x7a: {  	_ =	shalt  }
0x7b: {  	_ =	shalt  }
0x7c: {  	_ =	shalt  }
0x7d: {  	_ =	shalt  }
0x7e: {  	_ =	shalt  }
0x7f: {  	_ =	shalt  }
0x80: {  	_ =	shalt  }
0x81: {  	_ =	shalt  }
0x82: {  	_ =	shalt  }
0x83: {  	_ =	shalt  }
0x84: {  	_ =	shalt  }
0x85: {  	_ =	shalt  }
0x86: {  	_ =	shalt  }
0x87: {  	_ =	shalt  }
.Lfunc_end0:
.L_simem_size_0:
called_computation_lowered:
.L_overlay_start_0:
0x88: {  	s2 =	sld [smem:$0x3FD9]  }
0x89: {  	s3 =	sld [smem:$0x3FFE];
	_ =	sdelay $0x1  }
0x8a: {  	s1 =	srdreg.scid  }
0x8b: {  	s0 =	sand.u32 $0x1, s1  }
0x8c: {  	s16 =	sshll.u32 s0, $0xA;
	s2 =	sadd.s32 s3, s2  }
0x8d: {  	s2 =	sadd.s32 s2, s16  }
0x8e: {  	[smem:$0x3FC2] =	sst s2  }
0x8f: {  	_ = 	snop  }
0x90: {  	(tm) =	ssettm $0x1  }
0x91: {  	s17 =	sld [smem:$0x3FFB];
	_ =	sdelay $0x3  }
0x92: {  	_ =	strace s17  }
0x93: {  	s2 =	sld [smem:$0x3FFC];
	_ =	sdelay $0x3  }
0x94: {  	_ =	strace s2  }
0x95: {  	s2 =	sld [smem:$0x3FFD];
	_ =	sdelay $0x3  }
0x96: {  	_ =	strace s2  }
0x97: {  	_ =	strace $0x8FFFFFFF  }
0x98: {  	s18 =	sld [smem:$0x3FDB];
	_ =	sdelay $0x1  }
0x99: {  	s19 =	simm.s32 $_scs_section_size  }
0x9a: {  	s4 =	simm.s32 $_size__tile_overlayer_lowered;
	s5 =	simm.s32 $_tile_overlayer_lowered  }
0x9b: {  	s22 =	simm.s32 $0x1BFF;
	s21 =	sshll.u32 s5, $0x1;
	s2 =	sadd.s32 s19, s18  }
0x9c: {  	s6 =	simm.s32 $0x0;
	s20 =	sshll.u32 s4, $0x1;
	s4 =	sadd.s32 s21, s2  }
0x9d: {  	[timem:s6], [sflag:s22] =	dma.local [hbm:s4], s20  }
0x9e: {  	_ =	swait.ge [sflag:s22], s20  }
0x9f: {  	s3 =	ssub.s32 $0x0, s20;
	[sflag:s22] =	ssyncset.done $0x0  }
0xa0: {  	[sflag:s22] =	ssyncadd.s32 s3;
	_ =	sdelay $0x1  }
0xa1: {  	s23 =	simm.s32 $0x1B8B  }
0xa2: {  	_ =	swait.ge [sflag:s23], $0x1  }
0xa3: {  	[sflag:s23] =	ssyncset.done $0x0  }
0xa4: {  	s25 =	simm.s32 $0x1B8E;
	s24 =	sld [smem:$0x3FFE];
	[sflag:s23] =	ssyncadd.s32 $0xFFFFFFFF  }
0xa5: {  	s26 =	simm.s32 $execute0_lowered;
	[smem:$0x3FD2] =	sst s25  }
0xa6: {  	s4 =	sshll.u32 s26, $0x1;
	_ =	strace $0x80000046;
	[dreg:$0x1] =	wrdreg $0xFFFFFFFF  }
0xa7: {  	s28 =	simm.s32 $_size_execute0_lowered;
	s2 =	sadd.s32 s2, s4;
	[dreg:$0x0] =	wrdreg $0x0  }
0xa8: {  	s4 =	sshll.u32 s28, $0x1;
	[dreg:$0x2] =	wrdreg s2  }
0xa9: {  	[dreg:$0x3] =	wrdreg s4  }
0xaa: {  	[dreg:$0x4] =	wrdreg $0xC0  }
0xab: {  	_ =	task [dreg:s6], $0x5FFFF  }
0xac: {  	[dreg:$0x1] =	wrdreg $0xFFFFFFFF  }
0xad: {  	[dreg:$0x0] =	wrdreg $0x60  }
0xae: {  	[dreg:$0x2] =	wrdreg s24  }
0xaf: {  	[dreg:$0x3] =	wrdreg $0x3800  }
0xb0: {  	[dreg:$0x4] =	wrdreg $0x9  }
0xb1: {  	_ =	task.clear_ibuf [dreg:s6], $0x5FFFF;
	_ =	strace $0x90000046  }
0xb2: {  	s29 =	simm.s32 $0x9;
	_ =	strace $0x80000048  }
0xb3: {  	_ =	swait.ge [sflag:s29], $0x1  }
0xb4: {  	[sflag:s29] =	ssyncadd.s32 $0xFFFFFFFF  }
0xb5: {  	_ =	strace $0x90000048  }
0xb6: {  	_ =	sfence  }
0xb7: {  	s30 =	sld [smem:$0x0];
	_ =	sdelay $0x2  }
0xb8: {  	s31 =	sshll.u32 s1, $0xD;
	s1 =	sshrl.u32 s1, $0x2  }
0xb9: {  	s3 =	sand.u32 $0x4000, s31;
	s1 =	sadd.s32 s1, s30  }
0xba: {  	s0 =	sor.u32 s3, s0;
	s1 =	sshll.u32 s1, $0x11  }
0xbb: {  	s0 =	sor.u32 s1, s0  }
0xbc: {  	s0 =	sadd.s32 $0x8F2B, s0  }
0xbd: {  	[sflag:s0] =	ssyncadd.remote.s32 $0x1  }
0xbe: {  	_ =	sfence.sel $0xFFFF  }
0xbf: {  	[dreg:$0x0] =	wrdreg $0xFFFFFFFF;
	(pc) =	sbr.abs _section_cstart, $3  }
0xc0: {  	[dreg:$0x1] =	wrdreg $0xFFFFFFFF  }
0xc1: {  	_ =	task.clear_ibuf [dreg:s6], $0x2FFFF;
	_ =	strace $0x9FFFFFFF  }
0xc2: {  	(tm) =	ssettm $0x7FFFFFFF  }
0xc3: {  	_ =	shalt  }
tec
execute0_lowered:
.L_overlay_start_1:
0x0: {  	(tag) =	ssettag $0x1  }
0x1: {  	s4 =	rddreg [dreg:$0x0]  }
0x2: {  	s2 =	rddreg [dreg:$0x1]  }
0x3: {  	s0 =	srdreg.scid;
	s1 =	rddreg [dreg:$0x2];
	s3 =	simm.s32 $0x0  }
0x4: {  	s11 =	simm.s32 $0x80;
	s5 =	sand.u32 $0x1, s0;
	s0 =	stileid.u32  }
0x5: {  	s14 =	simm.s32 $0x0;
	[smem:$0x7FF] =	sst s3;
	s6 =	smul.u32 $0x27100, s5  }
0x6: {  	s7 =	smul.u32 $0x2710, s0;
	_ =	strace $0x80000047;
	s29 =	ssub.s32 $0x2, s5  }
0x7: {  	s8 =	smul.u32 $0x280, s0;
	p0 =	seq.s32 s5, $0x1;
	s5 =	simm.s32 $0xD800  }
0x8: {  	s12 =	sshll.u32 s0, $0x6;
	s30 =	sshrl.u32 s29, $0x1;
	s6 =	sadd.s32 s7, s6  }
0x9: {  	s5 =	simm.s32 @!p0 $0xD200;
	s12 =	sor.u32 $0x1C01, s12;
	s6 =	sshrl.u32 s6, $0x3  }
0xa: {  	s31 =	sshrl.u32 s8, $0x3;
	s10 =	sadd.s32 s5, s4;
	s9 =	sadd.s32 s6, s4  }
0xb: {  	s6 =	ssub.s32 s29, s30;
	s4 =	sadd.s32 s8, s2;
	s8 =	simm.s32 $0x100  }
0xc: {  	s5 =	smax.u32 s6, $0x1;
	s6 =	sadd.s32 s10, s31;
	s7 =	sadd.s32 $0x3400, s9  }
0xd: {  	v0 =	vimm.f32 $1.000000000e+00;
	v1 =	vimm.f32 $0.0e+00;
	s9 =	simm.s32 $0x1;
	s10 =	simm.s32 $0x50;
	s13 =	sshrl.u32 s4, $0x3  }
.LBB2_1:
0xe: {  	[tilespmem:$0x80] =	vst v0  }
0xf: {  	[tilespmem:$0x90] =	vst v0  }
0x10: {  	[tilespmem:$0xA0] =	vst v0  }
0x11: {  	[tilespmem:$0xB0] =	vst v0  }
0x12: {  	[tilespmem:$0xC0] =	vst v0  }
0x13: {  	[tilespmem:$0x100] =	vst v1  }
0x14: {  	[tilespmem:$0x110] =	vst v1  }
0x15: {  	[tilespmem:$0x120] =	vst v1  }
0x16: {  	[tilespmem:$0x130] =	vst v1  }
0x17: {  	[tilespmem:$0x140] =	vst v1  }
0x18: {  	[tilespmem:$0x150] =	vst v1  }
0x19: {  	[tilespmem:$0x160] =	vst v1  }
0x1a: {  	[tilespmem:$0x170] =	vst v1  }
0x1b: {  	[tilespmem:$0x180] =	vst v1  }
0x1c: {  	[tilespmem:$0x190] =	vst v1  }
0x1d: {  	[tilespmem:$0x1A0] =	vst v1  }
0x1e: {  	[tilespmem:$0x1B0] =	vst v1  }
0x1f: {  	[tilespmem:$0x1C0] =	vst v1  }
0x20: {  	[tilespmem:$0x1D0] =	vst v1  }
0x21: {  	[tilespmem:$0x1E0] =	vst v1  }
0x22: {  	[tilespmem:$0x1F0] =	vst v1  }
0x23: {  	[tilespmem:$0x200] =	vst v1  }
0x24: {  	[tilespmem:$0x210] =	vst v1  }
0x25: {  	[tilespmem:$0x220] =	vst v1  }
0x26: {  	[tilespmem:$0x230] =	vst v1  }
0x27: {  	[tilespmem:$0x240] =	vst v1  }
0x28: {  	[tilespmem:$0x250] =	vst v1  }
0x29: {  	[tilespmem:$0x260] =	vst v1  }
0x2a: {  	[tilespmem:$0x270] =	vst v1  }
0x2b: {  	[tilespmem:$0x280] =	vst v1  }
0x2c: {  	[tilespmem:$0x290] =	vst v1  }
0x2d: {  	[tilespmem:$0x2A0] =	vst v1  }
0x2e: {  	[tilespmem:$0x2B0] =	vst v1  }
0x2f: {  	[tilespmem:$0x2C0] =	vst v1  }
0x30: {  	[tilespmem:$0x2D0] =	vst v1  }
0x31: {  	[tilespmem:$0x2E0] =	vst v1  }
0x32: {  	[tilespmem:$0x2F0] =	vst v1  }
0x33: {  	[tilespmem:$0x300] =	vst v1  }
0x34: {  	[tilespmem:$0x310] =	vst v1  }
0x35: {  	[tilespmem:$0x320] =	vst v1  }
0x36: {  	[tilespmem:$0x330] =	vst v1  }
0x37: {  	[tilespmem:$0x340] =	vst v1  }
0x38: {  	[tilespmem:$0x350] =	vst v1  }
0x39: {  	[tilespmem:$0x360] =	vst v1  }
0x3a: {  	[tilespmem:$0x370] =	vst v1  }
0x3b: {  	[spmem:s4] =	stream.linear.scatter [tilespmem:s8], [sflag:$0x1], $0x280, $0x38;
	[tilespmem:$0x600] =	vst v63  }
0x3c: {  	_ =	swait.ge [sflag:s9], $0x280  }
0x3d: {  	[sflag:s9] =	ssyncset.done $0x0  }
0x3e: {  	[sflag:s9] =	ssyncadd.s32 $0xFFFFFD80  }
0x3f: {  	s15 =	sadd.s32 $0x0, s7;
	[bflag:$0x0] =	sbarrier.arrive $0xFFFF  }
0x40: {  	[tilespmem:s3], [sflag:$0x1] =	stream.linear.gather [hbm4b:s15+s3], $0x50, $0x38;
	[tilespmem:$0x600] =	vst v63  }
0x41: {  	_ =	swait.ge [sflag:s9], $0x50  }
0x42: {  	[sflag:s9] =	ssyncset.done $0x0  }
0x43: {  	[sflag:s9] =	ssyncadd.s32 $0xFFFFFFB0  }
0x44: {  	[spmem:s2] =	stream.indirect.scatter.add.f32 [tilespmem:s11], [sflag:$0x1], $0x1, s3, s10, $0xb8;
	[tilespmem:$0x600] =	vst v63  }
0x45: {  	_ =	swait.ge [sflag:s9], $0x50  }
0x46: {  	s16 =	simm.s32 $0x14;
	s15 =	simm.s32 $0xA;
	[sflag:s9] =	ssyncset.done $0x0  }
.LBB2_2:
0x47: {  	s17 =	sadd.s32 s15, s7  }
0x48: {  	[sflag:s9] =	ssyncadd.s32 $0xFFFFFFB0;
	s15 =	smov.u32 s16;
	s18 =	sadd.s32 $0xA, s16  }
0x49: {  	[tilespmem:s3], [sflag:$0x1] =	stream.linear.gather [hbm4b:s17+s3], $0x50, $0x38;
	[tilespmem:$0x600] =	vst v63  }
0x4a: {  	p0 =	sne.s32 s16, $0x4D8;
	_ =	swait.ge [sflag:s9], $0x50  }
.Ltmp0:
0x4b: {  	[sflag:s9] =	ssyncset.done $0x0;
	(pc) =	sbr.rel @p0 .LBB2_2-.Ltmp0, $4  }
0x4c: {  	[sflag:s9] =	ssyncadd.s32 $0xFFFFFFB0  }
0x4d: {  	[spmem:s2] =	stream.indirect.scatter.add.f32 [tilespmem:s11], [sflag:$0x1], $0x1, s3, s10, $0xb8;
	[tilespmem:$0x600] =	vst v63  }
0x4e: {  	_ =	swait.ge [sflag:s9], $0x50  }
0x4f: {  	s16 =	smov.u32 s18;
	[sflag:s9] =	ssyncset.done $0x0  }
0x50: {  	s15 =	sadd.s32 s15, s7;
	[sflag:s9] =	ssyncadd.s32 $0xFFFFFFB0  }
0x51: {  	[tilespmem:s3], [sflag:$0x1] =	stream.linear.gather [hbm4b:s15+s3], $0x50, $0x38;
	[tilespmem:$0x600] =	vst v63  }
0x52: {  	_ =	swait.ge [sflag:s9], $0x50  }
0x53: {  	[sflag:s9] =	ssyncset.done $0x0  }
0x54: {  	[sflag:s9] =	ssyncadd.s32 $0xFFFFFFB0  }
0x55: {  	[spmem:s2] =	stream.indirect.scatter.add.f32 [tilespmem:s11], [sflag:$0x1], $0x1, s3, s10, $0xb8;
	[tilespmem:$0x600] =	vst v63  }
0x56: {  	_ =	swait.ge [sflag:s9], $0x50  }
0x57: {  	s14 =	sadd.s32 $0x1, s14;
	[sflag:s9] =	ssyncset.done $0x0  }
0x58: {  	p0 =	sne.s32 s14, s5;
	[sflag:s9] =	ssyncadd.s32 $0xFFFFFFB0  }
.Ltmp1:
0x59: {  	[bflag:$0x0] =	sbarrier.arrive $0xFFFF;
	(pc) =	sbr.rel @p0 .LBB2_1-.Ltmp1, $4  }
0x5a: {  	[hbm:s6], [sflag:s12] =	dma.local [spmem:s13], $0x50  }
0x5b: {  	_ =	swait.ge [sflag:s9], $0x50  }
0x5c: {  	[sflag:s9] =	ssyncset.done $0x0  }
0x5d: {  	[sflag:s9] =	ssyncadd.s32 $0xFFFFFFB0  }
0x5e: {  	_ =	sfence.sel $0x180000  }
0x5f: {  	[bflag:$0x0] =	sbarrier.arrive $0xFFFF  }
0x60: {  	p0 =	sne.s32 s0, $0x0;
	_ =	strace $0x90000047  }
0x61: {  	s0 =	sadd.s32 @!p0 $0x100000, s1;
	[bflag:$0x2] =	sbarrier.arrive $0xFFFF  }
0x62: {  	[sflag:s0] =	ssyncadd.tile.s32 @!p0 $0x1;
	_ =	shalt  }
.Lfunc_end2:
_tile_overlayer_lowered:
.L_overlay_start_2:
0x63: {  	(tag) =	ssettag $0x2  }
0x64: {  	s0 =	rddreg [dreg:$0x0];
	s2 =	stileid.u32  }
0x65: {  	s1 =	rddreg [dreg:$0x1];
	p0 =	sne.s32 s2, $0x0  }
0x66: {  	s3 =	rddreg [dreg:$0x2];
	[bflag:$0x3] =	sbarrier.arrive $0xFFFF;
	s2 =	simm.s32 @!p0 $0x1C01  }
0x67: {  	[timem:s3], [sflag:s2] =	dma.local @!p0 [hbm:s0], s1  }
0x68: {  	s0 =	simm.s32 @!p0 $0x1  }
0x69: {  	_ =	swait.ge @!p0 [sflag:s0], s1  }
0x6a: {  	s1 =	ssub.s32 @!p0 $0x0, s1;
	[sflag:s0] =	ssyncset.done @!p0 $0x0  }
0x6b: {  	[sflag:s0] =	ssyncadd.s32 @!p0 s1  }
0x6c: {  	[bflag:$0x3] =	sbarrier.arrive $0xFFFF  }
0x6d: {  	_ =	shalt  }

</sc_bundles>
